<compile_context>
chip_gen: v7x
topology: tpu7x:2x2x1
jax: 0.10.2.dev20260603
libtpu: 0.0.44.dev20260713+nightly
codegen_flags: <defaults>
</compile_context>

<pallas_src>
import jax
import jax.numpy as jnp
import numpy as np
from jax import lax
from jax.experimental import pallas as pl
from jax.experimental.pallas import tpu as pltpu
from jax.experimental.pallas import tpu_sc as plsc

FIELD = 26
K = 8
D = FIELD * K
BATCH = 4096
NW = 32
SPW = BATCH // NW
CH = 4
ROWS = CH * FIELD
NCH = SPW // CH
PAIRS = [(i, j) for i in range(FIELD) for j in range(i + 1, FIELD)]
PV = (len(PAIRS) * K + 15) // 16


def _pair_tables():
    n = PV * 16
    a = np.zeros(n, np.int32)
    b = np.zeros(n, np.int32)
    for t in range(len(PAIRS) * K):
        p, k = divmod(t, K)
        i, j = PAIRS[p]
        a[t] = (i << 8) | (j * K + k)
        b[t] = (j << 8) | (i * K + k)
    return a.reshape(PV, 16), b.reshape(PV, 16)


def _w_tables():
    t = np.zeros((2 * CH, 16), np.int32)
    for s in range(CH):
        for l in range(16):
            t[2 * s, l] = s * FIELD + l
            t[2 * s + 1, l] = s * FIELD + 16 + l if l < 10 else s * FIELD
    return t


_A_TAB, _B_TAB = _pair_tables()
_W_TAB = _w_tables()


def _ffm_body(idx_hbm, v_hbm, w_hbm, w0_hbm, atab_hbm, btab_hbm, wtab_hbm,
              out_hbm, idx_v, vblk0, vblk1, wblk0, wblk1, atab_v, btab_v,
              wtab_v, w0_v, acc_v, out_v, sv0, sv1, sw0, sw1):
    wid = lax.axis_index("s") * 2 + lax.axis_index("c")
    lane = lax.iota(jnp.int32, 16)
    lane8 = lane < 8
    lane10 = lane < 10
    zero16 = jnp.zeros((16,), jnp.int32)

    pltpu.sync_copy(idx_hbm.at[pl.ds(wid * NCH, NCH)], idx_v)
    pltpu.sync_copy(atab_hbm, atab_v)
    pltpu.sync_copy(btab_hbm, btab_v)
    pltpu.sync_copy(wtab_hbm, wtab_v)
    pltpu.sync_copy(w0_hbm, w0_v)

    def issue(c, vbuf, wbuf, semv, semw):
        pltpu.async_copy(v_hbm.at[idx_v.at[c]], vbuf, semv)
        pltpu.async_copy(w_hbm.at[idx_v.at[c]], wbuf, semw)

    def wait(c, vbuf, wbuf, semv, semw):
        pltpu.make_async_copy(v_hbm.at[idx_v.at[c]], vbuf, semv).wait()
        pltpu.make_async_copy(w_hbm.at[idx_v.at[c]], wbuf, semw).wait()

    def compute(c, vbuf, wbuf):
        accs = []
        for s in range(CH):
            g1 = plsc.load_gather(wbuf, [wtab_v[2 * s, :], zero16])
            g2 = plsc.load_gather(wbuf, [wtab_v[2 * s + 1, :], zero16])
            accs.append(g1 + jnp.where(lane10, g2, 0.0))

        def pv_body(pv, accs):
            pa = atab_v[pv, :]
            pb = btab_v[pv, :]
            ar, aj, ak = pa >> 8, (pa >> 3) & 31, pa & 7
            br, bj, bk = pb >> 8, (pb >> 3) & 31, pb & 7
            out = []
            for s in range(CH):
                av = plsc.load_gather(vbuf, [ar + s * FIELD, aj, ak])
                bv = plsc.load_gather(vbuf, [br + s * FIELD, bj, bk])
                out.append(accs[s] + av * bv)
            return tuple(out)

        accs = lax.fori_loop(0, PV - 1, pv_body, tuple(accs))

        pa = atab_v[PV - 1, :]
        pb = btab_v[PV - 1, :]
        ar, aj, ak = pa >> 8, (pa >> 3) & 31, pa & 7
        br, bj, bk = pb >> 8, (pb >> 3) & 31, pb & 7
        for s in range(CH):
            av = plsc.load_gather(vbuf, [ar + s * FIELD, aj, ak])
            bv = plsc.load_gather(vbuf, [br + s * FIELD, bj, bk])
            acc_v[c * CH + s, :] = accs[s] + jnp.where(lane8, av * bv, 0.0)

    issue(0, vblk0, wblk0, sv0, sw0)

    def step(i, carry):
        c0 = 2 * i
        wait(c0, vblk0, wblk0, sv0, sw0)
        issue(c0 + 1, vblk1, wblk1, sv1, sw1)
        compute(c0, vblk0, wblk0)
        wait(c0 + 1, vblk1, wblk1, sv1, sw1)

        @pl.when(c0 + 2 < NCH)
        def _():
            issue(c0 + 2, vblk0, wblk0, sv0, sw0)

        compute(c0 + 1, vblk1, wblk1)
        return carry

    lax.fori_loop(0, NCH // 2, step, 0)

    w0s = w0_v[...]
    for g in range(SPW // 16):
        rows = g * 16 + lane
        tot = jnp.zeros((16,), jnp.float32)
        for j in range(16):
            tot = tot + plsc.load_gather(
                acc_v, [rows, jnp.full((16,), j, jnp.int32)])
        x = tot + w0s
        out_v[pl.ds(g * 16, 16)] = 1.0 / (1.0 + jnp.exp(-x))
    pltpu.sync_copy(out_v, out_hbm.at[pl.ds(wid * SPW, SPW)])


@jax.jit
def kernel(inputs, w0, w, v):
    feat_num = v.shape[0] // FIELD
    offs = (jnp.arange(FIELD, dtype=jnp.int32) * feat_num)[None, :]
    idx = (inputs + offs).reshape(BATCH * FIELD // ROWS, ROWS)
    w0p = jnp.broadcast_to(w0, (16,))

    mesh = plsc.VectorSubcoreMesh(core_axis_name="c", subcore_axis_name="s")
    run = pl.kernel(
        _ffm_body,
        out_type=jax.ShapeDtypeStruct((BATCH,), jnp.float32),
        mesh=mesh,
        compiler_params=pltpu.CompilerParams(
            use_tc_tiling_on_sc=False, needs_layout_passes=False),
        scratch_types=[
            pltpu.VMEM((NCH, ROWS), jnp.int32),
            pltpu.VMEM((ROWS, FIELD, K), jnp.float32),
            pltpu.VMEM((ROWS, FIELD, K), jnp.float32),
            pltpu.VMEM((ROWS, 1), jnp.float32),
            pltpu.VMEM((ROWS, 1), jnp.float32),
            pltpu.VMEM((PV, 16), jnp.int32),
            pltpu.VMEM((PV, 16), jnp.int32),
            pltpu.VMEM((2 * CH, 16), jnp.int32),
            pltpu.VMEM((16,), jnp.float32),
            pltpu.VMEM((SPW, 16), jnp.float32),
            pltpu.VMEM((SPW,), jnp.float32),
            pltpu.SemaphoreType.DMA,
            pltpu.SemaphoreType.DMA,
            pltpu.SemaphoreType.DMA,
            pltpu.SemaphoreType.DMA,
        ],
    )
    return run(idx, v, w, w0p, jnp.asarray(_A_TAB), jnp.asarray(_B_TAB),
               jnp.asarray(_W_TAB))

# --- scband reference (transcript-rebuilt; emitter-appended) ---
"""Pipeline reference for scband-ffm-43413529428030 (READ-ONLY COPY).

The authoritative reference and input builder live on the scoring server;
editing this copy changes nothing except your own understanding.
"""

import jax, jax.numpy as jnp
import numpy as np

FIELD_NUM = 26
FEAT_NUM = 100000
K = 8
BATCH = 4096
FEATURE_LENGTH = FIELD_NUM * FEAT_NUM


def setup_inputs(seed: int = 0) -> dict:
    key = jax.random.key(seed)
    k1, k2, k3 = jax.random.split(key, 3)
    inputs = jax.random.randint(k1, (BATCH, FIELD_NUM), 0, FEAT_NUM, dtype=jnp.int32)
    # FFM_Layer parameters: bias w0, linear weights w [feature_length, 1],
    # field-aware latent vectors v [feature_length, field_num, k]
    w0 = jnp.zeros((1,), dtype=jnp.float32)
    w = jax.random.normal(k2, (FEATURE_LENGTH, 1), dtype=jnp.float32) * 0.01
    v = jax.random.normal(k3, (FEATURE_LENGTH, FIELD_NUM, K), dtype=jnp.float32) * 0.01
    return {"inputs": inputs, "w0": w0, "w": w, "v": v}


def reference(inputs, w0, w, v):
    # index_mapping: offset each field's raw index into the concatenated table
    index_mapping = (jnp.arange(FIELD_NUM, dtype=jnp.int32) * FEAT_NUM)[None, :]
    idx = inputs + index_mapping  # (B, field_num)
    # first order: w0 + sum_f w[idx]
    first_order = w0 + jnp.sum(jnp.take(w, idx, axis=0), axis=(1, 2))  # (B,)
    # field-aware second order
    latent = jnp.take(v, idx, axis=0)  # (B, field_num, field_num, k)
    second_order = jnp.zeros((BATCH,), dtype=jnp.float32)
    for i in range(FIELD_NUM):
        for j in range(i + 1, FIELD_NUM):
            second_order = second_order + jnp.sum(latent[:, i, j] * latent[:, j, i], axis=1)
    ffm_out = first_order + second_order
    return jax.nn.sigmoid(ffm_out)

if __name__ == "__main__":
    import jax
    _d = setup_inputs()
    print(jax.jit(kernel)(*tuple(_d.values())))

</pallas_src>

<mosaic_0001>
#map = affine_map<(d0, d1) -> (0, 0)>
#map1 = affine_map<(d0, d1) -> (0, 0, 0)>
#map2 = affine_map<(d0, d1) -> (0)>
module attributes {stable_mosaic.version = 14 : i64} {
  func.func @_ffm_body(%arg0: i32, %arg1: i32, %arg2: memref<1024x104xi32, #tpu.memory_space<hbm>>, %arg3: memref<2600000x26x8xf32, #tpu.memory_space<hbm>>, %arg4: memref<2600000x1xf32, #tpu.memory_space<hbm>>, %arg5: memref<16xf32, #tpu.memory_space<hbm>>, %arg6: memref<163x16xi32, #tpu.memory_space<hbm>>, %arg7: memref<163x16xi32, #tpu.memory_space<hbm>>, %arg8: memref<8x16xi32, #tpu.memory_space<hbm>>, %arg9: memref<4096xf32, #tpu.memory_space<hbm>>, %arg10: memref<32x104xi32, #tpu.memory_space<vmem>>, %arg11: memref<104x26x8xf32, #tpu.memory_space<vmem>>, %arg12: memref<104x26x8xf32, #tpu.memory_space<vmem>>, %arg13: memref<104x1xf32, #tpu.memory_space<vmem>>, %arg14: memref<104x1xf32, #tpu.memory_space<vmem>>, %arg15: memref<163x16xi32, #tpu.memory_space<vmem>>, %arg16: memref<163x16xi32, #tpu.memory_space<vmem>>, %arg17: memref<8x16xi32, #tpu.memory_space<vmem>>, %arg18: memref<16xf32, #tpu.memory_space<vmem>>, %arg19: memref<128x16xf32, #tpu.memory_space<vmem>>, %arg20: memref<128xf32, #tpu.memory_space<vmem>>, %arg21: memref<!tpu.dma_semaphore, #tpu.memory_space<semaphore_mem>>, %arg22: memref<!tpu.dma_semaphore, #tpu.memory_space<semaphore_mem>>, %arg23: memref<!tpu.dma_semaphore, #tpu.memory_space<semaphore_mem>>, %arg24: memref<!tpu.dma_semaphore, #tpu.memory_space<semaphore_mem>>) attributes {dimension_semantics = [#tpu.dimension_semantics<core_parallel>, #tpu.dimension_semantics<subcore_parallel>], iteration_bounds = array<i64: 2, 16>, scalar_prefetch = 0 : i64, scratch_operands = 15 : i64, tpu.core_type = #tpu.core_type<sc_vector_subcore>, window_params = [{transform_indices = #map}, {transform_indices = #map1}, {transform_indices = #map}, {transform_indices = #map2}, {transform_indices = #map}, {transform_indices = #map}, {transform_indices = #map}, {transform_indices = #map2}]} {
    %mul3A = arith.constant 2 : i32
    %mul3A_0 = arith.muli %arg1, %mul3A : i32
    %add3A = arith.addi %mul3A_0, %arg0 : i32
    %iota3A = tpu.iota {dimensions = array<i32: 0>} : vector<16xi32>
    %lt3A = arith.constant 8 : i32
    %lt3A_1 = vector.broadcast %lt3A : i32 to vector<16xi32>
    %lt3A_2 = arith.cmpi slt, %iota3A, %lt3A_1 : vector<16xi32>
    %lt3A_3 = arith.constant 10 : i32
    %lt3A_4 = vector.broadcast %lt3A_3 : i32 to vector<16xi32>
    %lt3A_5 = arith.cmpi slt, %iota3A, %lt3A_4 : vector<16xi32>
    %broadcast_in_dim3A = arith.constant 0 : i32
    %broadcast_in_dim3A_6 = vector.broadcast %broadcast_in_dim3A : i32 to vector<16xi32>
    %mul3A_7 = arith.constant 32 : i32
    %mul3A_8 = arith.muli %add3A, %mul3A_7 : i32
    "tpu.region"() ({
      %run_scoped3A = tpu.sem_alloc : memref<!tpu.dma_semaphore, #tpu.memory_space<semaphore_mem>>
      %dma_start3A_682 = arith.constant 0 : i32
      %dma_start3A_683 = tpu.memref_slice %arg2[%mul3A_8, %dma_start3A_682] : memref<1024x104xi32, #tpu.memory_space<hbm>> -> memref<32x104xi32, #tpu.memory_space<hbm>>
      %dma_start3A_684 = arith.constant 0 : i32
      %dma_start3A_685 = tpu.memref_slice %arg2[%mul3A_8, %dma_start3A_684] : memref<1024x104xi32, #tpu.memory_space<hbm>> -> memref<32x104xi32, #tpu.memory_space<hbm>>
      tpu.enqueue_dma source(%dma_start3A_685 : memref<32x104xi32, #tpu.memory_space<hbm>>) target(%arg10 : memref<32x104xi32, #tpu.memory_space<vmem>>) target_semaphore(%run_scoped3A : memref<!tpu.dma_semaphore, #tpu.memory_space<semaphore_mem>>)
      %dma_wait3A = arith.constant 0 : i32
      %dma_wait3A_686 = tpu.memref_slice %arg2[%mul3A_8, %dma_wait3A] : memref<1024x104xi32, #tpu.memory_space<hbm>> -> memref<32x104xi32, #tpu.memory_space<hbm>>
      %dma_wait3A_687 = arith.constant 0 : i32
      %dma_wait3A_688 = tpu.memref_slice %arg2[%mul3A_8, %dma_wait3A_687] : memref<1024x104xi32, #tpu.memory_space<hbm>> -> memref<32x104xi32, #tpu.memory_space<hbm>>
      tpu.wait_dma2 semaphore(%run_scoped3A : memref<!tpu.dma_semaphore, #tpu.memory_space<semaphore_mem>>) src(%dma_wait3A_688 : memref<32x104xi32, #tpu.memory_space<hbm>>) dst(%arg10 : memref<32x104xi32, #tpu.memory_space<vmem>>)
      tpu.yield
    }) : () -> ()
    "tpu.region"() ({
      %run_scoped3A = tpu.sem_alloc : memref<!tpu.dma_semaphore, #tpu.memory_space<semaphore_mem>>
      tpu.enqueue_dma source(%arg6 : memref<163x16xi32, #tpu.memory_space<hbm>>) target(%arg15 : memref<163x16xi32, #tpu.memory_space<vmem>>) target_semaphore(%run_scoped3A : memref<!tpu.dma_semaphore, #tpu.memory_space<semaphore_mem>>)
      tpu.wait_dma2 semaphore(%run_scoped3A : memref<!tpu.dma_semaphore, #tpu.memory_space<semaphore_mem>>) src(%arg6 : memref<163x16xi32, #tpu.memory_space<hbm>>) dst(%arg15 : memref<163x16xi32, #tpu.memory_space<vmem>>)
      tpu.yield
    }) : () -> ()
    "tpu.region"() ({
      %run_scoped3A = tpu.sem_alloc : memref<!tpu.dma_semaphore, #tpu.memory_space<semaphore_mem>>
      tpu.enqueue_dma source(%arg7 : memref<163x16xi32, #tpu.memory_space<hbm>>) target(%arg16 : memref<163x16xi32, #tpu.memory_space<vmem>>) target_semaphore(%run_scoped3A : memref<!tpu.dma_semaphore, #tpu.memory_space<semaphore_mem>>)
      tpu.wait_dma2 semaphore(%run_scoped3A : memref<!tpu.dma_semaphore, #tpu.memory_space<semaphore_mem>>) src(%arg7 : memref<163x16xi32, #tpu.memory_space<hbm>>) dst(%arg16 : memref<163x16xi32, #tpu.memory_space<vmem>>)
      tpu.yield
    }) : () -> ()
    "tpu.region"() ({
      %run_scoped3A = tpu.sem_alloc : memref<!tpu.dma_semaphore, #tpu.memory_space<semaphore_mem>>
      tpu.enqueue_dma source(%arg8 : memref<8x16xi32, #tpu.memory_space<hbm>>) target(%arg17 : memref<8x16xi32, #tpu.memory_space<vmem>>) target_semaphore(%run_scoped3A : memref<!tpu.dma_semaphore, #tpu.memory_space<semaphore_mem>>)
      tpu.wait_dma2 semaphore(%run_scoped3A : memref<!tpu.dma_semaphore, #tpu.memory_space<semaphore_mem>>) src(%arg8 : memref<8x16xi32, #tpu.memory_space<hbm>>) dst(%arg17 : memref<8x16xi32, #tpu.memory_space<vmem>>)
      tpu.yield
    }) : () -> ()
    "tpu.region"() ({
      %run_scoped3A = tpu.sem_alloc : memref<!tpu.dma_semaphore, #tpu.memory_space<semaphore_mem>>
      tpu.enqueue_dma source(%arg5 : memref<16xf32, #tpu.memory_space<hbm>>) target(%arg18 : memref<16xf32, #tpu.memory_space<vmem>>) target_semaphore(%run_scoped3A : memref<!tpu.dma_semaphore, #tpu.memory_space<semaphore_mem>>)
      tpu.wait_dma2 semaphore(%run_scoped3A : memref<!tpu.dma_semaphore, #tpu.memory_space<semaphore_mem>>) src(%arg5 : memref<16xf32, #tpu.memory_space<hbm>>) dst(%arg18 : memref<16xf32, #tpu.memory_space<vmem>>)
      tpu.yield
    }) : () -> ()
    %dma_start3A = arith.constant 0 : i32
    %dma_start3A_9 = arith.constant 0 : i32
    %dma_start3A_10 = tpu.memref_slice %arg10[%dma_start3A, %dma_start3A_9] : memref<32x104xi32, #tpu.memory_space<vmem>> -> memref<1x104xi32, #tpu.memory_space<vmem>>
    %dma_start3A_11 = tpu.memref_squeeze %dma_start3A_10 : memref<1x104xi32, #tpu.memory_space<vmem>> -> memref<104xi32, #tpu.memory_space<vmem>>
    %dma_start3A_12 = arith.constant 0 : i32
    %dma_start3A_13 = arith.constant 0 : i32
    %dma_start3A_14 = arith.constant 0 : i32
    %dma_start3A_15 = tpu.memref_slice %arg3[%dma_start3A_12, %dma_start3A_13, %dma_start3A_14] : memref<2600000x26x8xf32, #tpu.memory_space<hbm>> -> memref<2600000x26x8xf32, #tpu.memory_space<hbm>>
    tpu.enqueue_indirect_dma source(%dma_start3A_15 : memref<2600000x26x8xf32, #tpu.memory_space<hbm>>) target(%arg11 : memref<104x26x8xf32, #tpu.memory_space<vmem>>) offsets(%dma_start3A_11 : memref<104xi32, #tpu.memory_space<vmem>>) semaphore(%arg21 : memref<!tpu.dma_semaphore, #tpu.memory_space<semaphore_mem>>)
    %dma_start3A_16 = arith.constant 0 : i32
    %dma_start3A_17 = arith.constant 0 : i32
    %dma_start3A_18 = tpu.memref_slice %arg10[%dma_start3A_16, %dma_start3A_17] : memref<32x104xi32, #tpu.memory_space<vmem>> -> memref<1x104xi32, #tpu.memory_space<vmem>>
    %dma_start3A_19 = tpu.memref_squeeze %dma_start3A_18 : memref<1x104xi32, #tpu.memory_space<vmem>> -> memref<104xi32, #tpu.memory_space<vmem>>
    %dma_start3A_20 = arith.constant 0 : i32
    %dma_start3A_21 = arith.constant 0 : i32
    %dma_start3A_22 = tpu.memref_slice %arg4[%dma_start3A_20, %dma_start3A_21] : memref<2600000x1xf32, #tpu.memory_space<hbm>> -> memref<2600000x1xf32, #tpu.memory_space<hbm>>
    tpu.enqueue_indirect_dma source(%dma_start3A_22 : memref<2600000x1xf32, #tpu.memory_space<hbm>>) target(%arg13 : memref<104x1xf32, #tpu.memory_space<vmem>>) offsets(%dma_start3A_19 : memref<104xi32, #tpu.memory_space<vmem>>) semaphore(%arg23 : memref<!tpu.dma_semaphore, #tpu.memory_space<semaphore_mem>>)
    %scan3A = arith.constant 0 : i32
    %scan3A_23 = arith.constant 0 : i32
    %scan3A_24 = arith.constant 16 : i32
    %scan3A_25 = arith.addi %scan3A_23, %scan3A_24 : i32
    %scan3A_26 = arith.constant 1 : i32
    scf.for %scan3A_682 = %scan3A_23 to %scan3A_25 step %scan3A_26  : i32 {
      %mul3A_683 = arith.constant 2 : i32
      %mul3A_684 = arith.muli %mul3A_683, %scan3A_682 : i32
      %dma_wait3A = arith.constant 0 : i32
      %dma_wait3A_685 = tpu.memref_slice %arg10[%mul3A_684, %dma_wait3A] : memref<32x104xi32, #tpu.memory_space<vmem>> -> memref<1x104xi32, #tpu.memory_space<vmem>>
      %dma_wait3A_686 = tpu.memref_squeeze %dma_wait3A_685 : memref<1x104xi32, #tpu.memory_space<vmem>> -> memref<104xi32, #tpu.memory_space<vmem>>
      %dma_wait3A_687 = arith.constant 0 : i32
      %dma_wait3A_688 = arith.constant 0 : i32
      %dma_wait3A_689 = arith.constant 0 : i32
      %dma_wait3A_690 = tpu.memref_slice %arg3[%dma_wait3A_687, %dma_wait3A_688, %dma_wait3A_689] : memref<2600000x26x8xf32, #tpu.memory_space<hbm>> -> memref<2600000x26x8xf32, #tpu.memory_space<hbm>>
      tpu.wait_indirect_dma semaphore(%arg21 : memref<!tpu.dma_semaphore, #tpu.memory_space<semaphore_mem>>) src(%dma_wait3A_690 : memref<2600000x26x8xf32, #tpu.memory_space<hbm>>) dst(%arg11 : memref<104x26x8xf32, #tpu.memory_space<vmem>>)
      %dma_wait3A_691 = arith.constant 0 : i32
      %dma_wait3A_692 = tpu.memref_slice %arg10[%mul3A_684, %dma_wait3A_691] : memref<32x104xi32, #tpu.memory_space<vmem>> -> memref<1x104xi32, #tpu.memory_space<vmem>>
      %dma_wait3A_693 = tpu.memref_squeeze %dma_wait3A_692 : memref<1x104xi32, #tpu.memory_space<vmem>> -> memref<104xi32, #tpu.memory_space<vmem>>
      %dma_wait3A_694 = arith.constant 0 : i32
      %dma_wait3A_695 = arith.constant 0 : i32
      %dma_wait3A_696 = tpu.memref_slice %arg4[%dma_wait3A_694, %dma_wait3A_695] : memref<2600000x1xf32, #tpu.memory_space<hbm>> -> memref<2600000x1xf32, #tpu.memory_space<hbm>>
      tpu.wait_indirect_dma semaphore(%arg23 : memref<!tpu.dma_semaphore, #tpu.memory_space<semaphore_mem>>) src(%dma_wait3A_696 : memref<2600000x1xf32, #tpu.memory_space<hbm>>) dst(%arg13 : memref<104x1xf32, #tpu.memory_space<vmem>>)
      %add3A_697 = arith.constant 1 : i32
      %add3A_698 = arith.addi %mul3A_684, %add3A_697 : i32
      %dma_start3A_699 = arith.constant 0 : i32
      %dma_start3A_700 = tpu.memref_slice %arg10[%add3A_698, %dma_start3A_699] : memref<32x104xi32, #tpu.memory_space<vmem>> -> memref<1x104xi32, #tpu.memory_space<vmem>>
      %dma_start3A_701 = tpu.memref_squeeze %dma_start3A_700 : memref<1x104xi32, #tpu.memory_space<vmem>> -> memref<104xi32, #tpu.memory_space<vmem>>
      %dma_start3A_702 = arith.constant 0 : i32
      %dma_start3A_703 = arith.constant 0 : i32
      %dma_start3A_704 = arith.constant 0 : i32
      %dma_start3A_705 = tpu.memref_slice %arg3[%dma_start3A_702, %dma_start3A_703, %dma_start3A_704] : memref<2600000x26x8xf32, #tpu.memory_space<hbm>> -> memref<2600000x26x8xf32, #tpu.memory_space<hbm>>
      tpu.enqueue_indirect_dma source(%dma_start3A_705 : memref<2600000x26x8xf32, #tpu.memory_space<hbm>>) target(%arg12 : memref<104x26x8xf32, #tpu.memory_space<vmem>>) offsets(%dma_start3A_701 : memref<104xi32, #tpu.memory_space<vmem>>) semaphore(%arg22 : memref<!tpu.dma_semaphore, #tpu.memory_space<semaphore_mem>>)
      %dma_start3A_706 = arith.constant 0 : i32
      %dma_start3A_707 = tpu.memref_slice %arg10[%add3A_698, %dma_start3A_706] : memref<32x104xi32, #tpu.memory_space<vmem>> -> memref<1x104xi32, #tpu.memory_space<vmem>>
      %dma_start3A_708 = tpu.memref_squeeze %dma_start3A_707 : memref<1x104xi32, #tpu.memory_space<vmem>> -> memref<104xi32, #tpu.memory_space<vmem>>
      %dma_start3A_709 = arith.constant 0 : i32
      %dma_start3A_710 = arith.constant 0 : i32
      %dma_start3A_711 = tpu.memref_slice %arg4[%dma_start3A_709, %dma_start3A_710] : memref<2600000x1xf32, #tpu.memory_space<hbm>> -> memref<2600000x1xf32, #tpu.memory_space<hbm>>
      tpu.enqueue_indirect_dma source(%dma_start3A_711 : memref<2600000x1xf32, #tpu.memory_space<hbm>>) target(%arg14 : memref<104x1xf32, #tpu.memory_space<vmem>>) offsets(%dma_start3A_708 : memref<104xi32, #tpu.memory_space<vmem>>) semaphore(%arg24 : memref<!tpu.dma_semaphore, #tpu.memory_space<semaphore_mem>>)
      %get3A_712 = arith.constant 0 : i32
      %get3A_713 = arith.index_cast %get3A_712 : i32 to index
      %get3A_714 = arith.constant 0 : index
      %get3A_715 = tpu.vector_load %arg17[%get3A_713, %get3A_714] {strides = array<i32>} : memref<8x16xi32, #tpu.memory_space<vmem>>, vector<16xi32>,
      %gather3A_716 = tpu.vector_load_idx %arg13[%get3A_715, %broadcast_in_dim3A_6] : memref<104x1xf32, #tpu.memory_space<vmem>>[vector<16xi32>, vector<16xi32>], vector<16xf32>,
      %get3A_717 = arith.constant 1 : i32
      %get3A_718 = arith.index_cast %get3A_717 : i32 to index
      %get3A_719 = arith.constant 0 : index
      %get3A_720 = tpu.vector_load %arg17[%get3A_718, %get3A_719] {strides = array<i32>} : memref<8x16xi32, #tpu.memory_space<vmem>>, vector<16xi32>,
      %gather3A_721 = tpu.vector_load_idx %arg13[%get3A_720, %broadcast_in_dim3A_6] : memref<104x1xf32, #tpu.memory_space<vmem>>[vector<16xi32>, vector<16xi32>], vector<16xf32>,
      %jit3A = arith.constant 0.000000e+00 : f32
      %broadcast_in_dim3A_722 = vector.broadcast %jit3A : f32 to vector<16xf32>
      %select_n3A = arith.select %lt3A_5, %gather3A_721, %broadcast_in_dim3A_722 : vector<16xi1>, vector<16xf32>
      %add3A_723 = arith.addf %gather3A_716, %select_n3A : vector<16xf32>
      %get3A_724 = arith.constant 2 : i32
      %get3A_725 = arith.index_cast %get3A_724 : i32 to index
      %get3A_726 = arith.constant 0 : index
      %get3A_727 = tpu.vector_load %arg17[%get3A_725, %get3A_726] {strides = array<i32>} : memref<8x16xi32, #tpu.memory_space<vmem>>, vector<16xi32>,
      %gather3A_728 = tpu.vector_load_idx %arg13[%get3A_727, %broadcast_in_dim3A_6] : memref<104x1xf32, #tpu.memory_space<vmem>>[vector<16xi32>, vector<16xi32>], vector<16xf32>,
      %get3A_729 = arith.constant 3 : i32
      %get3A_730 = arith.index_cast %get3A_729 : i32 to index
      %get3A_731 = arith.constant 0 : index
      %get3A_732 = tpu.vector_load %arg17[%get3A_730, %get3A_731] {strides = array<i32>} : memref<8x16xi32, #tpu.memory_space<vmem>>, vector<16xi32>,
      %gather3A_733 = tpu.vector_load_idx %arg13[%get3A_732, %broadcast_in_dim3A_6] : memref<104x1xf32, #tpu.memory_space<vmem>>[vector<16xi32>, vector<16xi32>], vector<16xf32>,
      %jit3A_734 = arith.constant 0.000000e+00 : f32
      %broadcast_in_dim3A_735 = vector.broadcast %jit3A_734 : f32 to vector<16xf32>
      %select_n3A_736 = arith.select %lt3A_5, %gather3A_733, %broadcast_in_dim3A_735 : vector<16xi1>, vector<16xf32>
      %add3A_737 = arith.addf %gather3A_728, %select_n3A_736 : vector<16xf32>
      %get3A_738 = arith.constant 4 : i32
      %get3A_739 = arith.index_cast %get3A_738 : i32 to index
      %get3A_740 = arith.constant 0 : index
      %get3A_741 = tpu.vector_load %arg17[%get3A_739, %get3A_740] {strides = array<i32>} : memref<8x16xi32, #tpu.memory_space<vmem>>, vector<16xi32>,
      %gather3A_742 = tpu.vector_load_idx %arg13[%get3A_741, %broadcast_in_dim3A_6] : memref<104x1xf32, #tpu.memory_space<vmem>>[vector<16xi32>, vector<16xi32>], vector<16xf32>,
      %get3A_743 = arith.constant 5 : i32
      %get3A_744 = arith.index_cast %get3A_743 : i32 to index
      %get3A_745 = arith.constant 0 : index
      %get3A_746 = tpu.vector_load %arg17[%get3A_744, %get3A_745] {strides = array<i32>} : memref<8x16xi32, #tpu.memory_space<vmem>>, vector<16xi32>,
      %gather3A_747 = tpu.vector_load_idx %arg13[%get3A_746, %broadcast_in_dim3A_6] : memref<104x1xf32, #tpu.memory_space<vmem>>[vector<16xi32>, vector<16xi32>], vector<16xf32>,
      %jit3A_748 = arith.constant 0.000000e+00 : f32
      %broadcast_in_dim3A_749 = vector.broadcast %jit3A_748 : f32 to vector<16xf32>
      %select_n3A_750 = arith.select %lt3A_5, %gather3A_747, %broadcast_in_dim3A_749 : vector<16xi1>, vector<16xf32>
      %add3A_751 = arith.addf %gather3A_742, %select_n3A_750 : vector<16xf32>
      %get3A_752 = arith.constant 6 : i32
      %get3A_753 = arith.index_cast %get3A_752 : i32 to index
      %get3A_754 = arith.constant 0 : index
      %get3A_755 = tpu.vector_load %arg17[%get3A_753, %get3A_754] {strides = array<i32>} : memref<8x16xi32, #tpu.memory_space<vmem>>, vector<16xi32>,
      %gather3A_756 = tpu.vector_load_idx %arg13[%get3A_755, %broadcast_in_dim3A_6] : memref<104x1xf32, #tpu.memory_space<vmem>>[vector<16xi32>, vector<16xi32>], vector<16xf32>,
      %get3A_757 = arith.constant 7 : i32
      %get3A_758 = arith.index_cast %get3A_757 : i32 to index
      %get3A_759 = arith.constant 0 : index
      %get3A_760 = tpu.vector_load %arg17[%get3A_758, %get3A_759] {strides = array<i32>} : memref<8x16xi32, #tpu.memory_space<vmem>>, vector<16xi32>,
      %gather3A_761 = tpu.vector_load_idx %arg13[%get3A_760, %broadcast_in_dim3A_6] : memref<104x1xf32, #tpu.memory_space<vmem>>[vector<16xi32>, vector<16xi32>], vector<16xf32>,
      %jit3A_762 = arith.constant 0.000000e+00 : f32
      %broadcast_in_dim3A_763 = vector.broadcast %jit3A_762 : f32 to vector<16xf32>
      %select_n3A_764 = arith.select %lt3A_5, %gather3A_761, %broadcast_in_dim3A_763 : vector<16xi1>, vector<16xf32>
      %add3A_765 = arith.addf %gather3A_756, %select_n3A_764 : vector<16xf32>
      %scan3A_766 = arith.constant 0 : i32
      %scan3A_767 = arith.constant 162 : i32
      %scan3A_768 = arith.addi %scan3A_766, %scan3A_767 : i32
      %scan3A_769 = arith.constant 1 : i32
      %scan3A_770:4 = scf.for %scan3A_1078 = %scan3A_766 to %scan3A_768 step %scan3A_769 iter_args(%scan3A_1079 = %add3A_723, %scan3A_1080 = %add3A_737, %scan3A_1081 = %add3A_751, %scan3A_1082 = %add3A_765) -> (vector<16xf32>, vector<16xf32>, vector<16xf32>, vector<16xf32>)  : i32 {
        %get3A_1083 = arith.index_cast %scan3A_1078 : i32 to index
        %get3A_1084 = arith.constant 0 : index
        %get3A_1085 = tpu.vector_load %arg15[%get3A_1083, %get3A_1084] {strides = array<i32>} : memref<163x16xi32, #tpu.memory_space<vmem>>, vector<16xi32>,
        %get3A_1086 = arith.index_cast %scan3A_1078 : i32 to index
        %get3A_1087 = arith.constant 0 : index
        %get3A_1088 = tpu.vector_load %arg16[%get3A_1086, %get3A_1087] {strides = array<i32>} : memref<163x16xi32, #tpu.memory_space<vmem>>, vector<16xi32>,
        %shift_right_arithmetic3A_1089 = arith.constant 8 : i32
        %shift_right_arithmetic3A_1090 = vector.broadcast %shift_right_arithmetic3A_1089 : i32 to vector<16xi32>
        %shift_right_arithmetic3A_1091 = arith.shrsi %get3A_1085, %shift_right_arithmetic3A_1090 : vector<16xi32>
        %shift_right_arithmetic3A_1092 = arith.constant 3 : i32
        %shift_right_arithmetic3A_1093 = vector.broadcast %shift_right_arithmetic3A_1092 : i32 to vector<16xi32>
        %shift_right_arithmetic3A_1094 = arith.shrsi %get3A_1085, %shift_right_arithmetic3A_1093 : vector<16xi32>
        %and3A_1095 = arith.constant 31 : i32
        %and3A_1096 = vector.broadcast %and3A_1095 : i32 to vector<16xi32>
        %and3A_1097 = arith.andi %shift_right_arithmetic3A_1094, %and3A_1096 : vector<16xi32>
        %and3A_1098 = arith.constant 7 : i32
        %and3A_1099 = vector.broadcast %and3A_1098 : i32 to vector<16xi32>
        %and3A_1100 = arith.andi %get3A_1085, %and3A_1099 : vector<16xi32>
        %shift_right_arithmetic3A_1101 = arith.constant 8 : i32
        %shift_right_arithmetic3A_1102 = vector.broadcast %shift_right_arithmetic3A_1101 : i32 to vector<16xi32>
        %shift_right_arithmetic3A_1103 = arith.shrsi %get3A_1088, %shift_right_arithmetic3A_1102 : vector<16xi32>
        %shift_right_arithmetic3A_1104 = arith.constant 3 : i32
        %shift_right_arithmetic3A_1105 = vector.broadcast %shift_right_arithmetic3A_1104 : i32 to vector<16xi32>
        %shift_right_arithmetic3A_1106 = arith.shrsi %get3A_1088, %shift_right_arithmetic3A_1105 : vector<16xi32>
        %and3A_1107 = arith.constant 31 : i32
        %and3A_1108 = vector.broadcast %and3A_1107 : i32 to vector<16xi32>
        %and3A_1109 = arith.andi %shift_right_arithmetic3A_1106, %and3A_1108 : vector<16xi32>
        %and3A_1110 = arith.constant 7 : i32
        %and3A_1111 = vector.broadcast %and3A_1110 : i32 to vector<16xi32>
        %and3A_1112 = arith.andi %get3A_1088, %and3A_1111 : vector<16xi32>
        %add3A_1113 = arith.constant 0 : i32
        %add3A_1114 = vector.broadcast %add3A_1113 : i32 to vector<16xi32>
        %add3A_1115 = arith.addi %shift_right_arithmetic3A_1091, %add3A_1114 : vector<16xi32>
        %gather3A_1116 = tpu.vector_load_idx %arg11[%add3A_1115, %and3A_1097, %and3A_1100] : memref<104x26x8xf32, #tpu.memory_space<vmem>>[vector<16xi32>, vector<16xi32>, vector<16xi32>], vector<16xf32>,
        %add3A_1117 = arith.constant 0 : i32
        %add3A_1118 = vector.broadcast %add3A_1117 : i32 to vector<16xi32>
        %add3A_1119 = arith.addi %shift_right_arithmetic3A_1103, %add3A_1118 : vector<16xi32>
        %gather3A_1120 = tpu.vector_load_idx %arg11[%add3A_1119, %and3A_1109, %and3A_1112] : memref<104x26x8xf32, #tpu.memory_space<vmem>>[vector<16xi32>, vector<16xi32>, vector<16xi32>], vector<16xf32>,
        %mul3A_1121 = arith.mulf %gather3A_1116, %gather3A_1120 : vector<16xf32>
        %add3A_1122 = arith.addf %scan3A_1079, %mul3A_1121 : vector<16xf32>
        %add3A_1123 = arith.constant 26 : i32
        %add3A_1124 = vector.broadcast %add3A_1123 : i32 to vector<16xi32>
        %add3A_1125 = arith.addi %shift_right_arithmetic3A_1091, %add3A_1124 : vector<16xi32>
        %gather3A_1126 = tpu.vector_load_idx %arg11[%add3A_1125, %and3A_1097, %and3A_1100] : memref<104x26x8xf32, #tpu.memory_space<vmem>>[vector<16xi32>, vector<16xi32>, vector<16xi32>], vector<16xf32>,
        %add3A_1127 = arith.constant 26 : i32
        %add3A_1128 = vector.broadcast %add3A_1127 : i32 to vector<16xi32>
        %add3A_1129 = arith.addi %shift_right_arithmetic3A_1103, %add3A_1128 : vector<16xi32>
        %gather3A_1130 = tpu.vector_load_idx %arg11[%add3A_1129, %and3A_1109, %and3A_1112] : memref<104x26x8xf32, #tpu.memory_space<vmem>>[vector<16xi32>, vector<16xi32>, vector<16xi32>], vector<16xf32>,
        %mul3A_1131 = arith.mulf %gather3A_1126, %gather3A_1130 : vector<16xf32>
        %add3A_1132 = arith.addf %scan3A_1080, %mul3A_1131 : vector<16xf32>
        %add3A_1133 = arith.constant 52 : i32
        %add3A_1134 = vector.broadcast %add3A_1133 : i32 to vector<16xi32>
        %add3A_1135 = arith.addi %shift_right_arithmetic3A_1091, %add3A_1134 : vector<16xi32>
        %gather3A_1136 = tpu.vector_load_idx %arg11[%add3A_1135, %and3A_1097, %and3A_1100] : memref<104x26x8xf32, #tpu.memory_space<vmem>>[vector<16xi32>, vector<16xi32>, vector<16xi32>], vector<16xf32>,
        %add3A_1137 = arith.constant 52 : i32
        %add3A_1138 = vector.broadcast %add3A_1137 : i32 to vector<16xi32>
        %add3A_1139 = arith.addi %shift_right_arithmetic3A_1103, %add3A_1138 : vector<16xi32>
        %gather3A_1140 = tpu.vector_load_idx %arg11[%add3A_1139, %and3A_1109, %and3A_1112] : memref<104x26x8xf32, #tpu.memory_space<vmem>>[vector<16xi32>, vector<16xi32>, vector<16xi32>], vector<16xf32>,
        %mul3A_1141 = arith.mulf %gather3A_1136, %gather3A_1140 : vector<16xf32>
        %add3A_1142 = arith.addf %scan3A_1081, %mul3A_1141 : vector<16xf32>
        %add3A_1143 = arith.constant 78 : i32
        %add3A_1144 = vector.broadcast %add3A_1143 : i32 to vector<16xi32>
        %add3A_1145 = arith.addi %shift_right_arithmetic3A_1091, %add3A_1144 : vector<16xi32>
        %gather3A_1146 = tpu.vector_load_idx %arg11[%add3A_1145, %and3A_1097, %and3A_1100] : memref<104x26x8xf32, #tpu.memory_space<vmem>>[vector<16xi32>, vector<16xi32>, vector<16xi32>], vector<16xf32>,
        %add3A_1147 = arith.constant 78 : i32
        %add3A_1148 = vector.broadcast %add3A_1147 : i32 to vector<16xi32>
        %add3A_1149 = arith.addi %shift_right_arithmetic3A_1103, %add3A_1148 : vector<16xi32>
        %gather3A_1150 = tpu.vector_load_idx %arg11[%add3A_1149, %and3A_1109, %and3A_1112] : memref<104x26x8xf32, #tpu.memory_space<vmem>>[vector<16xi32>, vector<16xi32>, vector<16xi32>], vector<16xf32>,
        %mul3A_1151 = arith.mulf %gather3A_1146, %gather3A_1150 : vector<16xf32>
        %add3A_1152 = arith.addf %scan3A_1082, %mul3A_1151 : vector<16xf32>
        scf.yield %add3A_1122, %add3A_1132, %add3A_1142, %add3A_1152 : vector<16xf32>, vector<16xf32>, vector<16xf32>, vector<16xf32>
      }
      %scan3A_771 = arith.constant 162 : i32
      %get3A_772 = arith.constant 162 : i32
      %get3A_773 = arith.index_cast %get3A_772 : i32 to index
      %get3A_774 = arith.constant 0 : index
      %get3A_775 = tpu.vector_load %arg15[%get3A_773, %get3A_774] {strides = array<i32>} : memref<163x16xi32, #tpu.memory_space<vmem>>, vector<16xi32>,
      %get3A_776 = arith.constant 162 : i32
      %get3A_777 = arith.index_cast %get3A_776 : i32 to index
      %get3A_778 = arith.constant 0 : index
      %get3A_779 = tpu.vector_load %arg16[%get3A_777, %get3A_778] {strides = array<i32>} : memref<163x16xi32, #tpu.memory_space<vmem>>, vector<16xi32>,
      %shift_right_arithmetic3A = arith.constant 8 : i32
      %shift_right_arithmetic3A_780 = vector.broadcast %shift_right_arithmetic3A : i32 to vector<16xi32>
      %shift_right_arithmetic3A_781 = arith.shrsi %get3A_775, %shift_right_arithmetic3A_780 : vector<16xi32>
      %shift_right_arithmetic3A_782 = arith.constant 3 : i32
      %shift_right_arithmetic3A_783 = vector.broadcast %shift_right_arithmetic3A_782 : i32 to vector<16xi32>
      %shift_right_arithmetic3A_784 = arith.shrsi %get3A_775, %shift_right_arithmetic3A_783 : vector<16xi32>
      %and3A = arith.constant 31 : i32
      %and3A_785 = vector.broadcast %and3A : i32 to vector<16xi32>
      %and3A_786 = arith.andi %shift_right_arithmetic3A_784, %and3A_785 : vector<16xi32>
      %and3A_787 = arith.constant 7 : i32
      %and3A_788 = vector.broadcast %and3A_787 : i32 to vector<16xi32>
      %and3A_789 = arith.andi %get3A_775, %and3A_788 : vector<16xi32>
      %shift_right_arithmetic3A_790 = arith.constant 8 : i32
      %shift_right_arithmetic3A_791 = vector.broadcast %shift_right_arithmetic3A_790 : i32 to vector<16xi32>
      %shift_right_arithmetic3A_792 = arith.shrsi %get3A_779, %shift_right_arithmetic3A_791 : vector<16xi32>
      %shift_right_arithmetic3A_793 = arith.constant 3 : i32
      %shift_right_arithmetic3A_794 = vector.broadcast %shift_right_arithmetic3A_793 : i32 to vector<16xi32>
      %shift_right_arithmetic3A_795 = arith.shrsi %get3A_779, %shift_right_arithmetic3A_794 : vector<16xi32>
      %and3A_796 = arith.constant 31 : i32
      %and3A_797 = vector.broadcast %and3A_796 : i32 to vector<16xi32>
      %and3A_798 = arith.andi %shift_right_arithmetic3A_795, %and3A_797 : vector<16xi32>
      %and3A_799 = arith.constant 7 : i32
      %and3A_800 = vector.broadcast %and3A_799 : i32 to vector<16xi32>
      %and3A_801 = arith.andi %get3A_779, %and3A_800 : vector<16xi32>
      %add3A_802 = arith.constant 0 : i32
      %add3A_803 = vector.broadcast %add3A_802 : i32 to vector<16xi32>
      %add3A_804 = arith.addi %shift_right_arithmetic3A_781, %add3A_803 : vector<16xi32>
      %gather3A_805 = tpu.vector_load_idx %arg11[%add3A_804, %and3A_786, %and3A_789] : memref<104x26x8xf32, #tpu.memory_space<vmem>>[vector<16xi32>, vector<16xi32>, vector<16xi32>], vector<16xf32>,
      %add3A_806 = arith.constant 0 : i32
      %add3A_807 = vector.broadcast %add3A_806 : i32 to vector<16xi32>
      %add3A_808 = arith.addi %shift_right_arithmetic3A_792, %add3A_807 : vector<16xi32>
      %gather3A_809 = tpu.vector_load_idx %arg11[%add3A_808, %and3A_798, %and3A_801] : memref<104x26x8xf32, #tpu.memory_space<vmem>>[vector<16xi32>, vector<16xi32>, vector<16xi32>], vector<16xf32>,
      %mul3A_810 = arith.mulf %gather3A_805, %gather3A_809 : vector<16xf32>
      %jit3A_811 = arith.constant 0.000000e+00 : f32
      %broadcast_in_dim3A_812 = vector.broadcast %jit3A_811 : f32 to vector<16xf32>
      %select_n3A_813 = arith.select %lt3A_2, %mul3A_810, %broadcast_in_dim3A_812 : vector<16xi1>, vector<16xf32>
      %add3A_814 = arith.addf %scan3A_770#0, %select_n3A_813 : vector<16xf32>
      %mul3A_815 = arith.constant 4 : i32
      %mul3A_816 = arith.muli %mul3A_684, %mul3A_815 : i32
      %add3A_817 = arith.constant 0 : i32
      %add3A_818 = arith.addi %mul3A_816, %add3A_817 : i32
      %swap3A_819 = arith.index_cast %add3A_818 : i32 to index
      %swap3A_820 = arith.constant 0 : index
      %swap3A_821 = tpu.vector_load %arg19[%swap3A_819, %swap3A_820] {strides = array<i32>} : memref<128x16xf32, #tpu.memory_space<vmem>>, vector<16xf32>,
      tpu.vector_store %arg19[%swap3A_819, %swap3A_820], %add3A_814 {strides = array<i32>} : memref<128x16xf32, #tpu.memory_space<vmem>>, vector<16xf32>,
      %add3A_822 = arith.constant 26 : i32
      %add3A_823 = vector.broadcast %add3A_822 : i32 to vector<16xi32>
      %add3A_824 = arith.addi %shift_right_arithmetic3A_781, %add3A_823 : vector<16xi32>
      %gather3A_825 = tpu.vector_load_idx %arg11[%add3A_824, %and3A_786, %and3A_789] : memref<104x26x8xf32, #tpu.memory_space<vmem>>[vector<16xi32>, vector<16xi32>, vector<16xi32>], vector<16xf32>,
      %add3A_826 = arith.constant 26 : i32
      %add3A_827 = vector.broadcast %add3A_826 : i32 to vector<16xi32>
      %add3A_828 = arith.addi %shift_right_arithmetic3A_792, %add3A_827 : vector<16xi32>
      %gather3A_829 = tpu.vector_load_idx %arg11[%add3A_828, %and3A_798, %and3A_801] : memref<104x26x8xf32, #tpu.memory_space<vmem>>[vector<16xi32>, vector<16xi32>, vector<16xi32>], vector<16xf32>,
      %mul3A_830 = arith.mulf %gather3A_825, %gather3A_829 : vector<16xf32>
      %jit3A_831 = arith.constant 0.000000e+00 : f32
      %broadcast_in_dim3A_832 = vector.broadcast %jit3A_831 : f32 to vector<16xf32>
      %select_n3A_833 = arith.select %lt3A_2, %mul3A_830, %broadcast_in_dim3A_832 : vector<16xi1>, vector<16xf32>
      %add3A_834 = arith.addf %scan3A_770#1, %select_n3A_833 : vector<16xf32>
      %mul3A_835 = arith.constant 4 : i32
      %mul3A_836 = arith.muli %mul3A_684, %mul3A_835 : i32
      %add3A_837 = arith.constant 1 : i32
      %add3A_838 = arith.addi %mul3A_836, %add3A_837 : i32
      %swap3A_839 = arith.index_cast %add3A_838 : i32 to index
      %swap3A_840 = arith.constant 0 : index
      %swap3A_841 = tpu.vector_load %arg19[%swap3A_839, %swap3A_840] {strides = array<i32>} : memref<128x16xf32, #tpu.memory_space<vmem>>, vector<16xf32>,
      tpu.vector_store %arg19[%swap3A_839, %swap3A_840], %add3A_834 {strides = array<i32>} : memref<128x16xf32, #tpu.memory_space<vmem>>, vector<16xf32>,
      %add3A_842 = arith.constant 52 : i32
      %add3A_843 = vector.broadcast %add3A_842 : i32 to vector<16xi32>
      %add3A_844 = arith.addi %shift_right_arithmetic3A_781, %add3A_843 : vector<16xi32>
      %gather3A_845 = tpu.vector_load_idx %arg11[%add3A_844, %and3A_786, %and3A_789] : memref<104x26x8xf32, #tpu.memory_space<vmem>>[vector<16xi32>, vector<16xi32>, vector<16xi32>], vector<16xf32>,
      %add3A_846 = arith.constant 52 : i32
      %add3A_847 = vector.broadcast %add3A_846 : i32 to vector<16xi32>
      %add3A_848 = arith.addi %shift_right_arithmetic3A_792, %add3A_847 : vector<16xi32>
      %gather3A_849 = tpu.vector_load_idx %arg11[%add3A_848, %and3A_798, %and3A_801] : memref<104x26x8xf32, #tpu.memory_space<vmem>>[vector<16xi32>, vector<16xi32>, vector<16xi32>], vector<16xf32>,
      %mul3A_850 = arith.mulf %gather3A_845, %gather3A_849 : vector<16xf32>
      %jit3A_851 = arith.constant 0.000000e+00 : f32
      %broadcast_in_dim3A_852 = vector.broadcast %jit3A_851 : f32 to vector<16xf32>
      %select_n3A_853 = arith.select %lt3A_2, %mul3A_850, %broadcast_in_dim3A_852 : vector<16xi1>, vector<16xf32>
      %add3A_854 = arith.addf %scan3A_770#2, %select_n3A_853 : vector<16xf32>
      %mul3A_855 = arith.constant 4 : i32
      %mul3A_856 = arith.muli %mul3A_684, %mul3A_855 : i32
      %add3A_857 = arith.constant 2 : i32
      %add3A_858 = arith.addi %mul3A_856, %add3A_857 : i32
      %swap3A_859 = arith.index_cast %add3A_858 : i32 to index
      %swap3A_860 = arith.constant 0 : index
      %swap3A_861 = tpu.vector_load %arg19[%swap3A_859, %swap3A_860] {strides = array<i32>} : memref<128x16xf32, #tpu.memory_space<vmem>>, vector<16xf32>,
      tpu.vector_store %arg19[%swap3A_859, %swap3A_860], %add3A_854 {strides = array<i32>} : memref<128x16xf32, #tpu.memory_space<vmem>>, vector<16xf32>,
      %add3A_862 = arith.constant 78 : i32
      %add3A_863 = vector.broadcast %add3A_862 : i32 to vector<16xi32>
      %add3A_864 = arith.addi %shift_right_arithmetic3A_781, %add3A_863 : vector<16xi32>
      %gather3A_865 = tpu.vector_load_idx %arg11[%add3A_864, %and3A_786, %and3A_789] : memref<104x26x8xf32, #tpu.memory_space<vmem>>[vector<16xi32>, vector<16xi32>, vector<16xi32>], vector<16xf32>,
      %add3A_866 = arith.constant 78 : i32
      %add3A_867 = vector.broadcast %add3A_866 : i32 to vector<16xi32>
      %add3A_868 = arith.addi %shift_right_arithmetic3A_792, %add3A_867 : vector<16xi32>
      %gather3A_869 = tpu.vector_load_idx %arg11[%add3A_868, %and3A_798, %and3A_801] : memref<104x26x8xf32, #tpu.memory_space<vmem>>[vector<16xi32>, vector<16xi32>, vector<16xi32>], vector<16xf32>,
      %mul3A_870 = arith.mulf %gather3A_865, %gather3A_869 : vector<16xf32>
      %jit3A_871 = arith.constant 0.000000e+00 : f32
      %broadcast_in_dim3A_872 = vector.broadcast %jit3A_871 : f32 to vector<16xf32>
      %select_n3A_873 = arith.select %lt3A_2, %mul3A_870, %broadcast_in_dim3A_872 : vector<16xi1>, vector<16xf32>
      %add3A_874 = arith.addf %scan3A_770#3, %select_n3A_873 : vector<16xf32>
      %mul3A_875 = arith.constant 4 : i32
      %mul3A_876 = arith.muli %mul3A_684, %mul3A_875 : i32
      %add3A_877 = arith.constant 3 : i32
      %add3A_878 = arith.addi %mul3A_876, %add3A_877 : i32
      %swap3A_879 = arith.index_cast %add3A_878 : i32 to index
      %swap3A_880 = arith.constant 0 : index
      %swap3A_881 = tpu.vector_load %arg19[%swap3A_879, %swap3A_880] {strides = array<i32>} : memref<128x16xf32, #tpu.memory_space<vmem>>, vector<16xf32>,
      tpu.vector_store %arg19[%swap3A_879, %swap3A_880], %add3A_874 {strides = array<i32>} : memref<128x16xf32, #tpu.memory_space<vmem>>, vector<16xf32>,
      %add3A_882 = arith.constant 1 : i32
      %add3A_883 = arith.addi %mul3A_684, %add3A_882 : i32
      %dma_wait3A_884 = arith.constant 0 : i32
      %dma_wait3A_885 = tpu.memref_slice %arg10[%add3A_883, %dma_wait3A_884] : memref<32x104xi32, #tpu.memory_space<vmem>> -> memref<1x104xi32, #tpu.memory_space<vmem>>
      %dma_wait3A_886 = tpu.memref_squeeze %dma_wait3A_885 : memref<1x104xi32, #tpu.memory_space<vmem>> -> memref<104xi32, #tpu.memory_space<vmem>>
      %dma_wait3A_887 = arith.constant 0 : i32
      %dma_wait3A_888 = arith.constant 0 : i32
      %dma_wait3A_889 = arith.constant 0 : i32
      %dma_wait3A_890 = tpu.memref_slice %arg3[%dma_wait3A_887, %dma_wait3A_888, %dma_wait3A_889] : memref<2600000x26x8xf32, #tpu.memory_space<hbm>> -> memref<2600000x26x8xf32, #tpu.memory_space<hbm>>
      tpu.wait_indirect_dma semaphore(%arg22 : memref<!tpu.dma_semaphore, #tpu.memory_space<semaphore_mem>>) src(%dma_wait3A_890 : memref<2600000x26x8xf32, #tpu.memory_space<hbm>>) dst(%arg12 : memref<104x26x8xf32, #tpu.memory_space<vmem>>)
      %dma_wait3A_891 = arith.constant 0 : i32
      %dma_wait3A_892 = tpu.memref_slice %arg10[%add3A_883, %dma_wait3A_891] : memref<32x104xi32, #tpu.memory_space<vmem>> -> memref<1x104xi32, #tpu.memory_space<vmem>>
      %dma_wait3A_893 = tpu.memref_squeeze %dma_wait3A_892 : memref<1x104xi32, #tpu.memory_space<vmem>> -> memref<104xi32, #tpu.memory_space<vmem>>
      %dma_wait3A_894 = arith.constant 0 : i32
      %dma_wait3A_895 = arith.constant 0 : i32
      %dma_wait3A_896 = tpu.memref_slice %arg4[%dma_wait3A_894, %dma_wait3A_895] : memref<2600000x1xf32, #tpu.memory_space<hbm>> -> memref<2600000x1xf32, #tpu.memory_space<hbm>>
      tpu.wait_indirect_dma semaphore(%arg24 : memref<!tpu.dma_semaphore, #tpu.memory_space<semaphore_mem>>) src(%dma_wait3A_896 : memref<2600000x1xf32, #tpu.memory_space<hbm>>) dst(%arg14 : memref<104x1xf32, #tpu.memory_space<vmem>>)
      %add3A_897 = arith.constant 2 : i32
      %add3A_898 = arith.addi %mul3A_684, %add3A_897 : i32
      %lt3A_899 = arith.constant 32 : i32
      %lt3A_900 = arith.cmpi slt, %add3A_898, %lt3A_899 : i32
      %convert_element_type3A = arith.extui %lt3A_900 : i1 to i32
      %cond3A = arith.constant 0 : i32
      %cond3A_901 = arith.cmpi ne, %convert_element_type3A, %cond3A : i32
      scf.if %cond3A_901 {
        %add3A_1078 = arith.constant 2 : i32
        %add3A_1079 = arith.addi %mul3A_684, %add3A_1078 : i32
        %dma_start3A_1080 = arith.constant 0 : i32
        %dma_start3A_1081 = tpu.memref_slice %arg10[%add3A_1079, %dma_start3A_1080] : memref<32x104xi32, #tpu.memory_space<vmem>> -> memref<1x104xi32, #tpu.memory_space<vmem>>
        %dma_start3A_1082 = tpu.memref_squeeze %dma_start3A_1081 : memref<1x104xi32, #tpu.memory_space<vmem>> -> memref<104xi32, #tpu.memory_space<vmem>>
        %dma_start3A_1083 = arith.constant 0 : i32
        %dma_start3A_1084 = arith.constant 0 : i32
        %dma_start3A_1085 = arith.constant 0 : i32
        %dma_start3A_1086 = tpu.memref_slice %arg3[%dma_start3A_1083, %dma_start3A_1084, %dma_start3A_1085] : memref<2600000x26x8xf32, #tpu.memory_space<hbm>> -> memref<2600000x26x8xf32, #tpu.memory_space<hbm>>
        tpu.enqueue_indirect_dma source(%dma_start3A_1086 : memref<2600000x26x8xf32, #tpu.memory_space<hbm>>) target(%arg11 : memref<104x26x8xf32, #tpu.memory_space<vmem>>) offsets(%dma_start3A_1082 : memref<104xi32, #tpu.memory_space<vmem>>) semaphore(%arg21 : memref<!tpu.dma_semaphore, #tpu.memory_space<semaphore_mem>>)
        %dma_start3A_1087 = arith.constant 0 : i32
        %dma_start3A_1088 = tpu.memref_slice %arg10[%add3A_1079, %dma_start3A_1087] : memref<32x104xi32, #tpu.memory_space<vmem>> -> memref<1x104xi32, #tpu.memory_space<vmem>>
        %dma_start3A_1089 = tpu.memref_squeeze %dma_start3A_1088 : memref<1x104xi32, #tpu.memory_space<vmem>> -> memref<104xi32, #tpu.memory_space<vmem>>
        %dma_start3A_1090 = arith.constant 0 : i32
        %dma_start3A_1091 = arith.constant 0 : i32
        %dma_start3A_1092 = tpu.memref_slice %arg4[%dma_start3A_1090, %dma_start3A_1091] : memref<2600000x1xf32, #tpu.memory_space<hbm>> -> memref<2600000x1xf32, #tpu.memory_space<hbm>>
        tpu.enqueue_indirect_dma source(%dma_start3A_1092 : memref<2600000x1xf32, #tpu.memory_space<hbm>>) target(%arg13 : memref<104x1xf32, #tpu.memory_space<vmem>>) offsets(%dma_start3A_1089 : memref<104xi32, #tpu.memory_space<vmem>>) semaphore(%arg23 : memref<!tpu.dma_semaphore, #tpu.memory_space<semaphore_mem>>)
      } else {
      }
      %add3A_902 = arith.constant 1 : i32
      %add3A_903 = arith.addi %mul3A_684, %add3A_902 : i32
      %get3A_904 = arith.constant 0 : i32
      %get3A_905 = arith.index_cast %get3A_904 : i32 to index
      %get3A_906 = arith.constant 0 : index
      %get3A_907 = tpu.vector_load %arg17[%get3A_905, %get3A_906] {strides = array<i32>} : memref<8x16xi32, #tpu.memory_space<vmem>>, vector<16xi32>,
      %gather3A_908 = tpu.vector_load_idx %arg14[%get3A_907, %broadcast_in_dim3A_6] : memref<104x1xf32, #tpu.memory_space<vmem>>[vector<16xi32>, vector<16xi32>], vector<16xf32>,
      %get3A_909 = arith.constant 1 : i32
      %get3A_910 = arith.index_cast %get3A_909 : i32 to index
      %get3A_911 = arith.constant 0 : index
      %get3A_912 = tpu.vector_load %arg17[%get3A_910, %get3A_911] {strides = array<i32>} : memref<8x16xi32, #tpu.memory_space<vmem>>, vector<16xi32>,
      %gather3A_913 = tpu.vector_load_idx %arg14[%get3A_912, %broadcast_in_dim3A_6] : memref<104x1xf32, #tpu.memory_space<vmem>>[vector<16xi32>, vector<16xi32>], vector<16xf32>,
      %jit3A_914 = arith.constant 0.000000e+00 : f32
      %broadcast_in_dim3A_915 = vector.broadcast %jit3A_914 : f32 to vector<16xf32>
      %select_n3A_916 = arith.select %lt3A_5, %gather3A_913, %broadcast_in_dim3A_915 : vector<16xi1>, vector<16xf32>
      %add3A_917 = arith.addf %gather3A_908, %select_n3A_916 : vector<16xf32>
      %get3A_918 = arith.constant 2 : i32
      %get3A_919 = arith.index_cast %get3A_918 : i32 to index
      %get3A_920 = arith.constant 0 : index
      %get3A_921 = tpu.vector_load %arg17[%get3A_919, %get3A_920] {strides = array<i32>} : memref<8x16xi32, #tpu.memory_space<vmem>>, vector<16xi32>,
      %gather3A_922 = tpu.vector_load_idx %arg14[%get3A_921, %broadcast_in_dim3A_6] : memref<104x1xf32, #tpu.memory_space<vmem>>[vector<16xi32>, vector<16xi32>], vector<16xf32>,
      %get3A_923 = arith.constant 3 : i32
      %get3A_924 = arith.index_cast %get3A_923 : i32 to index
      %get3A_925 = arith.constant 0 : index
      %get3A_926 = tpu.vector_load %arg17[%get3A_924, %get3A_925] {strides = array<i32>} : memref<8x16xi32, #tpu.memory_space<vmem>>, vector<16xi32>,
      %gather3A_927 = tpu.vector_load_idx %arg14[%get3A_926, %broadcast_in_dim3A_6] : memref<104x1xf32, #tpu.memory_space<vmem>>[vector<16xi32>, vector<16xi32>], vector<16xf32>,
      %jit3A_928 = arith.constant 0.000000e+00 : f32
      %broadcast_in_dim3A_929 = vector.broadcast %jit3A_928 : f32 to vector<16xf32>
      %select_n3A_930 = arith.select %lt3A_5, %gather3A_927, %broadcast_in_dim3A_929 : vector<16xi1>, vector<16xf32>
      %add3A_931 = arith.addf %gather3A_922, %select_n3A_930 : vector<16xf32>
      %get3A_932 = arith.constant 4 : i32
      %get3A_933 = arith.index_cast %get3A_932 : i32 to index
      %get3A_934 = arith.constant 0 : index
      %get3A_935 = tpu.vector_load %arg17[%get3A_933, %get3A_934] {strides = array<i32>} : memref<8x16xi32, #tpu.memory_space<vmem>>, vector<16xi32>,
      %gather3A_936 = tpu.vector_load_idx %arg14[%get3A_935, %broadcast_in_dim3A_6] : memref<104x1xf32, #tpu.memory_space<vmem>>[vector<16xi32>, vector<16xi32>], vector<16xf32>,
      %get3A_937 = arith.constant 5 : i32
      %get3A_938 = arith.index_cast %get3A_937 : i32 to index
      %get3A_939 = arith.constant 0 : index
      %get3A_940 = tpu.vector_load %arg17[%get3A_938, %get3A_939] {strides = array<i32>} : memref<8x16xi32, #tpu.memory_space<vmem>>, vector<16xi32>,
      %gather3A_941 = tpu.vector_load_idx %arg14[%get3A_940, %broadcast_in_dim3A_6] : memref<104x1xf32, #tpu.memory_space<vmem>>[vector<16xi32>, vector<16xi32>], vector<16xf32>,
      %jit3A_942 = arith.constant 0.000000e+00 : f32
      %broadcast_in_dim3A_943 = vector.broadcast %jit3A_942 : f32 to vector<16xf32>
      %select_n3A_944 = arith.select %lt3A_5, %gather3A_941, %broadcast_in_dim3A_943 : vector<16xi1>, vector<16xf32>
      %add3A_945 = arith.addf %gather3A_936, %select_n3A_944 : vector<16xf32>
      %get3A_946 = arith.constant 6 : i32
      %get3A_947 = arith.index_cast %get3A_946 : i32 to index
      %get3A_948 = arith.constant 0 : index
      %get3A_949 = tpu.vector_load %arg17[%get3A_947, %get3A_948] {strides = array<i32>} : memref<8x16xi32, #tpu.memory_space<vmem>>, vector<16xi32>,
      %gather3A_950 = tpu.vector_load_idx %arg14[%get3A_949, %broadcast_in_dim3A_6] : memref<104x1xf32, #tpu.memory_space<vmem>>[vector<16xi32>, vector<16xi32>], vector<16xf32>,
      %get3A_951 = arith.constant 7 : i32
      %get3A_952 = arith.index_cast %get3A_951 : i32 to index
      %get3A_953 = arith.constant 0 : index
      %get3A_954 = tpu.vector_load %arg17[%get3A_952, %get3A_953] {strides = array<i32>} : memref<8x16xi32, #tpu.memory_space<vmem>>, vector<16xi32>,
      %gather3A_955 = tpu.vector_load_idx %arg14[%get3A_954, %broadcast_in_dim3A_6] : memref<104x1xf32, #tpu.memory_space<vmem>>[vector<16xi32>, vector<16xi32>], vector<16xf32>,
      %jit3A_956 = arith.constant 0.000000e+00 : f32
      %broadcast_in_dim3A_957 = vector.broadcast %jit3A_956 : f32 to vector<16xf32>
      %select_n3A_958 = arith.select %lt3A_5, %gather3A_955, %broadcast_in_dim3A_957 : vector<16xi1>, vector<16xf32>
      %add3A_959 = arith.addf %gather3A_950, %select_n3A_958 : vector<16xf32>
      %scan3A_960 = arith.constant 0 : i32
      %scan3A_961 = arith.constant 162 : i32
      %scan3A_962 = arith.addi %scan3A_960, %scan3A_961 : i32
      %scan3A_963 = arith.constant 1 : i32
      %scan3A_964:4 = scf.for %scan3A_1078 = %scan3A_960 to %scan3A_962 step %scan3A_963 iter_args(%scan3A_1079 = %add3A_917, %scan3A_1080 = %add3A_931, %scan3A_1081 = %add3A_945, %scan3A_1082 = %add3A_959) -> (vector<16xf32>, vector<16xf32>, vector<16xf32>, vector<16xf32>)  : i32 {
        %get3A_1083 = arith.index_cast %scan3A_1078 : i32 to index
        %get3A_1084 = arith.constant 0 : index
        %get3A_1085 = tpu.vector_load %arg15[%get3A_1083, %get3A_1084] {strides = array<i32>} : memref<163x16xi32, #tpu.memory_space<vmem>>, vector<16xi32>,
        %get3A_1086 = arith.index_cast %scan3A_1078 : i32 to index
        %get3A_1087 = arith.constant 0 : index
        %get3A_1088 = tpu.vector_load %arg16[%get3A_1086, %get3A_1087] {strides = array<i32>} : memref<163x16xi32, #tpu.memory_space<vmem>>, vector<16xi32>,
        %shift_right_arithmetic3A_1089 = arith.constant 8 : i32
        %shift_right_arithmetic3A_1090 = vector.broadcast %shift_right_arithmetic3A_1089 : i32 to vector<16xi32>
        %shift_right_arithmetic3A_1091 = arith.shrsi %get3A_1085, %shift_right_arithmetic3A_1090 : vector<16xi32>
        %shift_right_arithmetic3A_1092 = arith.constant 3 : i32
        %shift_right_arithmetic3A_1093 = vector.broadcast %shift_right_arithmetic3A_1092 : i32 to vector<16xi32>
        %shift_right_arithmetic3A_1094 = arith.shrsi %get3A_1085, %shift_right_arithmetic3A_1093 : vector<16xi32>
        %and3A_1095 = arith.constant 31 : i32
        %and3A_1096 = vector.broadcast %and3A_1095 : i32 to vector<16xi32>
        %and3A_1097 = arith.andi %shift_right_arithmetic3A_1094, %and3A_1096 : vector<16xi32>
        %and3A_1098 = arith.constant 7 : i32
        %and3A_1099 = vector.broadcast %and3A_1098 : i32 to vector<16xi32>
        %and3A_1100 = arith.andi %get3A_1085, %and3A_1099 : vector<16xi32>
        %shift_right_arithmetic3A_1101 = arith.constant 8 : i32
        %shift_right_arithmetic3A_1102 = vector.broadcast %shift_right_arithmetic3A_1101 : i32 to vector<16xi32>
        %shift_right_arithmetic3A_1103 = arith.shrsi %get3A_1088, %shift_right_arithmetic3A_1102 : vector<16xi32>
        %shift_right_arithmetic3A_1104 = arith.constant 3 : i32
        %shift_right_arithmetic3A_1105 = vector.broadcast %shift_right_arithmetic3A_1104 : i32 to vector<16xi32>
        %shift_right_arithmetic3A_1106 = arith.shrsi %get3A_1088, %shift_right_arithmetic3A_1105 : vector<16xi32>
        %and3A_1107 = arith.constant 31 : i32
        %and3A_1108 = vector.broadcast %and3A_1107 : i32 to vector<16xi32>
        %and3A_1109 = arith.andi %shift_right_arithmetic3A_1106, %and3A_1108 : vector<16xi32>
        %and3A_1110 = arith.constant 7 : i32
        %and3A_1111 = vector.broadcast %and3A_1110 : i32 to vector<16xi32>
        %and3A_1112 = arith.andi %get3A_1088, %and3A_1111 : vector<16xi32>
        %add3A_1113 = arith.constant 0 : i32
        %add3A_1114 = vector.broadcast %add3A_1113 : i32 to vector<16xi32>
        %add3A_1115 = arith.addi %shift_right_arithmetic3A_1091, %add3A_1114 : vector<16xi32>
        %gather3A_1116 = tpu.vector_load_idx %arg12[%add3A_1115, %and3A_1097, %and3A_1100] : memref<104x26x8xf32, #tpu.memory_space<vmem>>[vector<16xi32>, vector<16xi32>, vector<16xi32>], vector<16xf32>,
        %add3A_1117 = arith.constant 0 : i32
        %add3A_1118 = vector.broadcast %add3A_1117 : i32 to vector<16xi32>
        %add3A_1119 = arith.addi %shift_right_arithmetic3A_1103, %add3A_1118 : vector<16xi32>
        %gather3A_1120 = tpu.vector_load_idx %arg12[%add3A_1119, %and3A_1109, %and3A_1112] : memref<104x26x8xf32, #tpu.memory_space<vmem>>[vector<16xi32>, vector<16xi32>, vector<16xi32>], vector<16xf32>,
        %mul3A_1121 = arith.mulf %gather3A_1116, %gather3A_1120 : vector<16xf32>
        %add3A_1122 = arith.addf %scan3A_1079, %mul3A_1121 : vector<16xf32>
        %add3A_1123 = arith.constant 26 : i32
        %add3A_1124 = vector.broadcast %add3A_1123 : i32 to vector<16xi32>
        %add3A_1125 = arith.addi %shift_right_arithmetic3A_1091, %add3A_1124 : vector<16xi32>
        %gather3A_1126 = tpu.vector_load_idx %arg12[%add3A_1125, %and3A_1097, %and3A_1100] : memref<104x26x8xf32, #tpu.memory_space<vmem>>[vector<16xi32>, vector<16xi32>, vector<16xi32>], vector<16xf32>,
        %add3A_1127 = arith.constant 26 : i32
        %add3A_1128 = vector.broadcast %add3A_1127 : i32 to vector<16xi32>
        %add3A_1129 = arith.addi %shift_right_arithmetic3A_1103, %add3A_1128 : vector<16xi32>
        %gather3A_1130 = tpu.vector_load_idx %arg12[%add3A_1129, %and3A_1109, %and3A_1112] : memref<104x26x8xf32, #tpu.memory_space<vmem>>[vector<16xi32>, vector<16xi32>, vector<16xi32>], vector<16xf32>,
        %mul3A_1131 = arith.mulf %gather3A_1126, %gather3A_1130 : vector<16xf32>
        %add3A_1132 = arith.addf %scan3A_1080, %mul3A_1131 : vector<16xf32>
        %add3A_1133 = arith.constant 52 : i32
        %add3A_1134 = vector.broadcast %add3A_1133 : i32 to vector<16xi32>
        %add3A_1135 = arith.addi %shift_right_arithmetic3A_1091, %add3A_1134 : vector<16xi32>
        %gather3A_1136 = tpu.vector_load_idx %arg12[%add3A_1135, %and3A_1097, %and3A_1100] : memref<104x26x8xf32, #tpu.memory_space<vmem>>[vector<16xi32>, vector<16xi32>, vector<16xi32>], vector<16xf32>,
        %add3A_1137 = arith.constant 52 : i32
        %add3A_1138 = vector.broadcast %add3A_1137 : i32 to vector<16xi32>
        %add3A_1139 = arith.addi %shift_right_arithmetic3A_1103, %add3A_1138 : vector<16xi32>
        %gather3A_1140 = tpu.vector_load_idx %arg12[%add3A_1139, %and3A_1109, %and3A_1112] : memref<104x26x8xf32, #tpu.memory_space<vmem>>[vector<16xi32>, vector<16xi32>, vector<16xi32>], vector<16xf32>,
        %mul3A_1141 = arith.mulf %gather3A_1136, %gather3A_1140 : vector<16xf32>
        %add3A_1142 = arith.addf %scan3A_1081, %mul3A_1141 : vector<16xf32>
        %add3A_1143 = arith.constant 78 : i32
        %add3A_1144 = vector.broadcast %add3A_1143 : i32 to vector<16xi32>
        %add3A_1145 = arith.addi %shift_right_arithmetic3A_1091, %add3A_1144 : vector<16xi32>
        %gather3A_1146 = tpu.vector_load_idx %arg12[%add3A_1145, %and3A_1097, %and3A_1100] : memref<104x26x8xf32, #tpu.memory_space<vmem>>[vector<16xi32>, vector<16xi32>, vector<16xi32>], vector<16xf32>,
        %add3A_1147 = arith.constant 78 : i32
        %add3A_1148 = vector.broadcast %add3A_1147 : i32 to vector<16xi32>
        %add3A_1149 = arith.addi %shift_right_arithmetic3A_1103, %add3A_1148 : vector<16xi32>
        %gather3A_1150 = tpu.vector_load_idx %arg12[%add3A_1149, %and3A_1109, %and3A_1112] : memref<104x26x8xf32, #tpu.memory_space<vmem>>[vector<16xi32>, vector<16xi32>, vector<16xi32>], vector<16xf32>,
        %mul3A_1151 = arith.mulf %gather3A_1146, %gather3A_1150 : vector<16xf32>
        %add3A_1152 = arith.addf %scan3A_1082, %mul3A_1151 : vector<16xf32>
        scf.yield %add3A_1122, %add3A_1132, %add3A_1142, %add3A_1152 : vector<16xf32>, vector<16xf32>, vector<16xf32>, vector<16xf32>
      }
      %scan3A_965 = arith.constant 162 : i32
      %get3A_966 = arith.constant 162 : i32
      %get3A_967 = arith.index_cast %get3A_966 : i32 to index
      %get3A_968 = arith.constant 0 : index
      %get3A_969 = tpu.vector_load %arg15[%get3A_967, %get3A_968] {strides = array<i32>} : memref<163x16xi32, #tpu.memory_space<vmem>>, vector<16xi32>,
      %get3A_970 = arith.constant 162 : i32
      %get3A_971 = arith.index_cast %get3A_970 : i32 to index
      %get3A_972 = arith.constant 0 : index
      %get3A_973 = tpu.vector_load %arg16[%get3A_971, %get3A_972] {strides = array<i32>} : memref<163x16xi32, #tpu.memory_space<vmem>>, vector<16xi32>,
      %shift_right_arithmetic3A_974 = arith.constant 8 : i32
      %shift_right_arithmetic3A_975 = vector.broadcast %shift_right_arithmetic3A_974 : i32 to vector<16xi32>
      %shift_right_arithmetic3A_976 = arith.shrsi %get3A_969, %shift_right_arithmetic3A_975 : vector<16xi32>
      %shift_right_arithmetic3A_977 = arith.constant 3 : i32
      %shift_right_arithmetic3A_978 = vector.broadcast %shift_right_arithmetic3A_977 : i32 to vector<16xi32>
      %shift_right_arithmetic3A_979 = arith.shrsi %get3A_969, %shift_right_arithmetic3A_978 : vector<16xi32>
      %and3A_980 = arith.constant 31 : i32
      %and3A_981 = vector.broadcast %and3A_980 : i32 to vector<16xi32>
      %and3A_982 = arith.andi %shift_right_arithmetic3A_979, %and3A_981 : vector<16xi32>
      %and3A_983 = arith.constant 7 : i32
      %and3A_984 = vector.broadcast %and3A_983 : i32 to vector<16xi32>
      %and3A_985 = arith.andi %get3A_969, %and3A_984 : vector<16xi32>
      %shift_right_arithmetic3A_986 = arith.constant 8 : i32
      %shift_right_arithmetic3A_987 = vector.broadcast %shift_right_arithmetic3A_986 : i32 to vector<16xi32>
      %shift_right_arithmetic3A_988 = arith.shrsi %get3A_973, %shift_right_arithmetic3A_987 : vector<16xi32>
      %shift_right_arithmetic3A_989 = arith.constant 3 : i32
      %shift_right_arithmetic3A_990 = vector.broadcast %shift_right_arithmetic3A_989 : i32 to vector<16xi32>
      %shift_right_arithmetic3A_991 = arith.shrsi %get3A_973, %shift_right_arithmetic3A_990 : vector<16xi32>
      %and3A_992 = arith.constant 31 : i32
      %and3A_993 = vector.broadcast %and3A_992 : i32 to vector<16xi32>
      %and3A_994 = arith.andi %shift_right_arithmetic3A_991, %and3A_993 : vector<16xi32>
      %and3A_995 = arith.constant 7 : i32
      %and3A_996 = vector.broadcast %and3A_995 : i32 to vector<16xi32>
      %and3A_997 = arith.andi %get3A_973, %and3A_996 : vector<16xi32>
      %add3A_998 = arith.constant 0 : i32
      %add3A_999 = vector.broadcast %add3A_998 : i32 to vector<16xi32>
      %add3A_1000 = arith.addi %shift_right_arithmetic3A_976, %add3A_999 : vector<16xi32>
      %gather3A_1001 = tpu.vector_load_idx %arg12[%add3A_1000, %and3A_982, %and3A_985] : memref<104x26x8xf32, #tpu.memory_space<vmem>>[vector<16xi32>, vector<16xi32>, vector<16xi32>], vector<16xf32>,
      %add3A_1002 = arith.constant 0 : i32
      %add3A_1003 = vector.broadcast %add3A_1002 : i32 to vector<16xi32>
      %add3A_1004 = arith.addi %shift_right_arithmetic3A_988, %add3A_1003 : vector<16xi32>
      %gather3A_1005 = tpu.vector_load_idx %arg12[%add3A_1004, %and3A_994, %and3A_997] : memref<104x26x8xf32, #tpu.memory_space<vmem>>[vector<16xi32>, vector<16xi32>, vector<16xi32>], vector<16xf32>,
      %mul3A_1006 = arith.mulf %gather3A_1001, %gather3A_1005 : vector<16xf32>
      %jit3A_1007 = arith.constant 0.000000e+00 : f32
      %broadcast_in_dim3A_1008 = vector.broadcast %jit3A_1007 : f32 to vector<16xf32>
      %select_n3A_1009 = arith.select %lt3A_2, %mul3A_1006, %broadcast_in_dim3A_1008 : vector<16xi1>, vector<16xf32>
      %add3A_1010 = arith.addf %scan3A_964#0, %select_n3A_1009 : vector<16xf32>
      %mul3A_1011 = arith.constant 4 : i32
      %mul3A_1012 = arith.muli %add3A_903, %mul3A_1011 : i32
      %add3A_1013 = arith.constant 0 : i32
      %add3A_1014 = arith.addi %mul3A_1012, %add3A_1013 : i32
      %swap3A_1015 = arith.index_cast %add3A_1014 : i32 to index
      %swap3A_1016 = arith.constant 0 : index
      %swap3A_1017 = tpu.vector_load %arg19[%swap3A_1015, %swap3A_1016] {strides = array<i32>} : memref<128x16xf32, #tpu.memory_space<vmem>>, vector<16xf32>,
      tpu.vector_store %arg19[%swap3A_1015, %swap3A_1016], %add3A_1010 {strides = array<i32>} : memref<128x16xf32, #tpu.memory_space<vmem>>, vector<16xf32>,
      %add3A_1018 = arith.constant 26 : i32
      %add3A_1019 = vector.broadcast %add3A_1018 : i32 to vector<16xi32>
      %add3A_1020 = arith.addi %shift_right_arithmetic3A_976, %add3A_1019 : vector<16xi32>
      %gather3A_1021 = tpu.vector_load_idx %arg12[%add3A_1020, %and3A_982, %and3A_985] : memref<104x26x8xf32, #tpu.memory_space<vmem>>[vector<16xi32>, vector<16xi32>, vector<16xi32>], vector<16xf32>,
      %add3A_1022 = arith.constant 26 : i32
      %add3A_1023 = vector.broadcast %add3A_1022 : i32 to vector<16xi32>
      %add3A_1024 = arith.addi %shift_right_arithmetic3A_988, %add3A_1023 : vector<16xi32>
      %gather3A_1025 = tpu.vector_load_idx %arg12[%add3A_1024, %and3A_994, %and3A_997] : memref<104x26x8xf32, #tpu.memory_space<vmem>>[vector<16xi32>, vector<16xi32>, vector<16xi32>], vector<16xf32>,
      %mul3A_1026 = arith.mulf %gather3A_1021, %gather3A_1025 : vector<16xf32>
      %jit3A_1027 = arith.constant 0.000000e+00 : f32
      %broadcast_in_dim3A_1028 = vector.broadcast %jit3A_1027 : f32 to vector<16xf32>
      %select_n3A_1029 = arith.select %lt3A_2, %mul3A_1026, %broadcast_in_dim3A_1028 : vector<16xi1>, vector<16xf32>
      %add3A_1030 = arith.addf %scan3A_964#1, %select_n3A_1029 : vector<16xf32>
      %mul3A_1031 = arith.constant 4 : i32
      %mul3A_1032 = arith.muli %add3A_903, %mul3A_1031 : i32
      %add3A_1033 = arith.constant 1 : i32
      %add3A_1034 = arith.addi %mul3A_1032, %add3A_1033 : i32
      %swap3A_1035 = arith.index_cast %add3A_1034 : i32 to index
      %swap3A_1036 = arith.constant 0 : index
      %swap3A_1037 = tpu.vector_load %arg19[%swap3A_1035, %swap3A_1036] {strides = array<i32>} : memref<128x16xf32, #tpu.memory_space<vmem>>, vector<16xf32>,
      tpu.vector_store %arg19[%swap3A_1035, %swap3A_1036], %add3A_1030 {strides = array<i32>} : memref<128x16xf32, #tpu.memory_space<vmem>>, vector<16xf32>,
      %add3A_1038 = arith.constant 52 : i32
      %add3A_1039 = vector.broadcast %add3A_1038 : i32 to vector<16xi32>
      %add3A_1040 = arith.addi %shift_right_arithmetic3A_976, %add3A_1039 : vector<16xi32>
      %gather3A_1041 = tpu.vector_load_idx %arg12[%add3A_1040, %and3A_982, %and3A_985] : memref<104x26x8xf32, #tpu.memory_space<vmem>>[vector<16xi32>, vector<16xi32>, vector<16xi32>], vector<16xf32>,
      %add3A_1042 = arith.constant 52 : i32
      %add3A_1043 = vector.broadcast %add3A_1042 : i32 to vector<16xi32>
      %add3A_1044 = arith.addi %shift_right_arithmetic3A_988, %add3A_1043 : vector<16xi32>
      %gather3A_1045 = tpu.vector_load_idx %arg12[%add3A_1044, %and3A_994, %and3A_997] : memref<104x26x8xf32, #tpu.memory_space<vmem>>[vector<16xi32>, vector<16xi32>, vector<16xi32>], vector<16xf32>,
      %mul3A_1046 = arith.mulf %gather3A_1041, %gather3A_1045 : vector<16xf32>
      %jit3A_1047 = arith.constant 0.000000e+00 : f32
      %broadcast_in_dim3A_1048 = vector.broadcast %jit3A_1047 : f32 to vector<16xf32>
      %select_n3A_1049 = arith.select %lt3A_2, %mul3A_1046, %broadcast_in_dim3A_1048 : vector<16xi1>, vector<16xf32>
      %add3A_1050 = arith.addf %scan3A_964#2, %select_n3A_1049 : vector<16xf32>
      %mul3A_1051 = arith.constant 4 : i32
      %mul3A_1052 = arith.muli %add3A_903, %mul3A_1051 : i32
      %add3A_1053 = arith.constant 2 : i32
      %add3A_1054 = arith.addi %mul3A_1052, %add3A_1053 : i32
      %swap3A_1055 = arith.index_cast %add3A_1054 : i32 to index
      %swap3A_1056 = arith.constant 0 : index
      %swap3A_1057 = tpu.vector_load %arg19[%swap3A_1055, %swap3A_1056] {strides = array<i32>} : memref<128x16xf32, #tpu.memory_space<vmem>>, vector<16xf32>,
      tpu.vector_store %arg19[%swap3A_1055, %swap3A_1056], %add3A_1050 {strides = array<i32>} : memref<128x16xf32, #tpu.memory_space<vmem>>, vector<16xf32>,
      %add3A_1058 = arith.constant 78 : i32
      %add3A_1059 = vector.broadcast %add3A_1058 : i32 to vector<16xi32>
      %add3A_1060 = arith.addi %shift_right_arithmetic3A_976, %add3A_1059 : vector<16xi32>
      %gather3A_1061 = tpu.vector_load_idx %arg12[%add3A_1060, %and3A_982, %and3A_985] : memref<104x26x8xf32, #tpu.memory_space<vmem>>[vector<16xi32>, vector<16xi32>, vector<16xi32>], vector<16xf32>,
      %add3A_1062 = arith.constant 78 : i32
      %add3A_1063 = vector.broadcast %add3A_1062 : i32 to vector<16xi32>
      %add3A_1064 = arith.addi %shift_right_arithmetic3A_988, %add3A_1063 : vector<16xi32>
      %gather3A_1065 = tpu.vector_load_idx %arg12[%add3A_1064, %and3A_994, %and3A_997] : memref<104x26x8xf32, #tpu.memory_space<vmem>>[vector<16xi32>, vector<16xi32>, vector<16xi32>], vector<16xf32>,
      %mul3A_1066 = arith.mulf %gather3A_1061, %gather3A_1065 : vector<16xf32>
      %jit3A_1067 = arith.constant 0.000000e+00 : f32
      %broadcast_in_dim3A_1068 = vector.broadcast %jit3A_1067 : f32 to vector<16xf32>
      %select_n3A_1069 = arith.select %lt3A_2, %mul3A_1066, %broadcast_in_dim3A_1068 : vector<16xi1>, vector<16xf32>
      %add3A_1070 = arith.addf %scan3A_964#3, %select_n3A_1069 : vector<16xf32>
      %mul3A_1071 = arith.constant 4 : i32
      %mul3A_1072 = arith.muli %add3A_903, %mul3A_1071 : i32
      %add3A_1073 = arith.constant 3 : i32
      %add3A_1074 = arith.addi %mul3A_1072, %add3A_1073 : i32
      %swap3A_1075 = arith.index_cast %add3A_1074 : i32 to index
      %swap3A_1076 = arith.constant 0 : index
      %swap3A_1077 = tpu.vector_load %arg19[%swap3A_1075, %swap3A_1076] {strides = array<i32>} : memref<128x16xf32, #tpu.memory_space<vmem>>, vector<16xf32>,
      tpu.vector_store %arg19[%swap3A_1075, %swap3A_1076], %add3A_1070 {strides = array<i32>} : memref<128x16xf32, #tpu.memory_space<vmem>>, vector<16xf32>,
    }
    %scan3A_27 = arith.constant 16 : i32
    %get3A = arith.constant 0 : index
    %get3A_28 = tpu.vector_load %arg18[%get3A] {strides = array<i32>} : memref<16xf32, #tpu.memory_space<vmem>>, vector<16xf32>,
    %add3A_29 = arith.constant 0 : i32
    %add3A_30 = vector.broadcast %add3A_29 : i32 to vector<16xi32>
    %add3A_31 = arith.addi %add3A_30, %iota3A : vector<16xi32>
    %broadcast_in_dim3A_32 = arith.constant 0.000000e+00 : f32
    %broadcast_in_dim3A_33 = vector.broadcast %broadcast_in_dim3A_32 : f32 to vector<16xf32>
    %broadcast_in_dim3A_34 = arith.constant 0 : i32
    %broadcast_in_dim3A_35 = vector.broadcast %broadcast_in_dim3A_34 : i32 to vector<16xi32>
    %gather3A = tpu.vector_load_idx %arg19[%add3A_31, %broadcast_in_dim3A_35] : memref<128x16xf32, #tpu.memory_space<vmem>>[vector<16xi32>, vector<16xi32>], vector<16xf32>,
    %add3A_36 = arith.addf %broadcast_in_dim3A_33, %gather3A : vector<16xf32>
    %broadcast_in_dim3A_37 = arith.constant 1 : i32
    %broadcast_in_dim3A_38 = vector.broadcast %broadcast_in_dim3A_37 : i32 to vector<16xi32>
    %gather3A_39 = tpu.vector_load_idx %arg19[%add3A_31, %broadcast_in_dim3A_38] : memref<128x16xf32, #tpu.memory_space<vmem>>[vector<16xi32>, vector<16xi32>], vector<16xf32>,
    %add3A_40 = arith.addf %add3A_36, %gather3A_39 : vector<16xf32>
    %broadcast_in_dim3A_41 = arith.constant 2 : i32
    %broadcast_in_dim3A_42 = vector.broadcast %broadcast_in_dim3A_41 : i32 to vector<16xi32>
    %gather3A_43 = tpu.vector_load_idx %arg19[%add3A_31, %broadcast_in_dim3A_42] : memref<128x16xf32, #tpu.memory_space<vmem>>[vector<16xi32>, vector<16xi32>], vector<16xf32>,
    %add3A_44 = arith.addf %add3A_40, %gather3A_43 : vector<16xf32>
    %broadcast_in_dim3A_45 = arith.constant 3 : i32
    %broadcast_in_dim3A_46 = vector.broadcast %broadcast_in_dim3A_45 : i32 to vector<16xi32>
    %gather3A_47 = tpu.vector_load_idx %arg19[%add3A_31, %broadcast_in_dim3A_46] : memref<128x16xf32, #tpu.memory_space<vmem>>[vector<16xi32>, vector<16xi32>], vector<16xf32>,
    %add3A_48 = arith.addf %add3A_44, %gather3A_47 : vector<16xf32>
    %broadcast_in_dim3A_49 = arith.constant 4 : i32
    %broadcast_in_dim3A_50 = vector.broadcast %broadcast_in_dim3A_49 : i32 to vector<16xi32>
    %gather3A_51 = tpu.vector_load_idx %arg19[%add3A_31, %broadcast_in_dim3A_50] : memref<128x16xf32, #tpu.memory_space<vmem>>[vector<16xi32>, vector<16xi32>], vector<16xf32>,
    %add3A_52 = arith.addf %add3A_48, %gather3A_51 : vector<16xf32>
    %broadcast_in_dim3A_53 = arith.constant 5 : i32
    %broadcast_in_dim3A_54 = vector.broadcast %broadcast_in_dim3A_53 : i32 to vector<16xi32>
    %gather3A_55 = tpu.vector_load_idx %arg19[%add3A_31, %broadcast_in_dim3A_54] : memref<128x16xf32, #tpu.memory_space<vmem>>[vector<16xi32>, vector<16xi32>], vector<16xf32>,
    %add3A_56 = arith.addf %add3A_52, %gather3A_55 : vector<16xf32>
    %broadcast_in_dim3A_57 = arith.constant 6 : i32
    %broadcast_in_dim3A_58 = vector.broadcast %broadcast_in_dim3A_57 : i32 to vector<16xi32>
    %gather3A_59 = tpu.vector_load_idx %arg19[%add3A_31, %broadcast_in_dim3A_58] : memref<128x16xf32, #tpu.memory_space<vmem>>[vector<16xi32>, vector<16xi32>], vector<16xf32>,
    %add3A_60 = arith.addf %add3A_56, %gather3A_59 : vector<16xf32>
    %broadcast_in_dim3A_61 = arith.constant 7 : i32
    %broadcast_in_dim3A_62 = vector.broadcast %broadcast_in_dim3A_61 : i32 to vector<16xi32>
    %gather3A_63 = tpu.vector_load_idx %arg19[%add3A_31, %broadcast_in_dim3A_62] : memref<128x16xf32, #tpu.memory_space<vmem>>[vector<16xi32>, vector<16xi32>], vector<16xf32>,
    %add3A_64 = arith.addf %add3A_60, %gather3A_63 : vector<16xf32>
    %broadcast_in_dim3A_65 = arith.constant 8 : i32
    %broadcast_in_dim3A_66 = vector.broadcast %broadcast_in_dim3A_65 : i32 to vector<16xi32>
    %gather3A_67 = tpu.vector_load_idx %arg19[%add3A_31, %broadcast_in_dim3A_66] : memref<128x16xf32, #tpu.memory_space<vmem>>[vector<16xi32>, vector<16xi32>], vector<16xf32>,
    %add3A_68 = arith.addf %add3A_64, %gather3A_67 : vector<16xf32>
    %broadcast_in_dim3A_69 = arith.constant 9 : i32
    %broadcast_in_dim3A_70 = vector.broadcast %broadcast_in_dim3A_69 : i32 to vector<16xi32>
    %gather3A_71 = tpu.vector_load_idx %arg19[%add3A_31, %broadcast_in_dim3A_70] : memref<128x16xf32, #tpu.memory_space<vmem>>[vector<16xi32>, vector<16xi32>], vector<16xf32>,
    %add3A_72 = arith.addf %add3A_68, %gather3A_71 : vector<16xf32>
    %broadcast_in_dim3A_73 = arith.constant 10 : i32
    %broadcast_in_dim3A_74 = vector.broadcast %broadcast_in_dim3A_73 : i32 to vector<16xi32>
    %gather3A_75 = tpu.vector_load_idx %arg19[%add3A_31, %broadcast_in_dim3A_74] : memref<128x16xf32, #tpu.memory_space<vmem>>[vector<16xi32>, vector<16xi32>], vector<16xf32>,
    %add3A_76 = arith.addf %add3A_72, %gather3A_75 : vector<16xf32>
    %broadcast_in_dim3A_77 = arith.constant 11 : i32
    %broadcast_in_dim3A_78 = vector.broadcast %broadcast_in_dim3A_77 : i32 to vector<16xi32>
    %gather3A_79 = tpu.vector_load_idx %arg19[%add3A_31, %broadcast_in_dim3A_78] : memref<128x16xf32, #tpu.memory_space<vmem>>[vector<16xi32>, vector<16xi32>], vector<16xf32>,
    %add3A_80 = arith.addf %add3A_76, %gather3A_79 : vector<16xf32>
    %broadcast_in_dim3A_81 = arith.constant 12 : i32
    %broadcast_in_dim3A_82 = vector.broadcast %broadcast_in_dim3A_81 : i32 to vector<16xi32>
    %gather3A_83 = tpu.vector_load_idx %arg19[%add3A_31, %broadcast_in_dim3A_82] : memref<128x16xf32, #tpu.memory_space<vmem>>[vector<16xi32>, vector<16xi32>], vector<16xf32>,
    %add3A_84 = arith.addf %add3A_80, %gather3A_83 : vector<16xf32>
    %broadcast_in_dim3A_85 = arith.constant 13 : i32
    %broadcast_in_dim3A_86 = vector.broadcast %broadcast_in_dim3A_85 : i32 to vector<16xi32>
    %gather3A_87 = tpu.vector_load_idx %arg19[%add3A_31, %broadcast_in_dim3A_86] : memref<128x16xf32, #tpu.memory_space<vmem>>[vector<16xi32>, vector<16xi32>], vector<16xf32>,
    %add3A_88 = arith.addf %add3A_84, %gather3A_87 : vector<16xf32>
    %broadcast_in_dim3A_89 = arith.constant 14 : i32
    %broadcast_in_dim3A_90 = vector.broadcast %broadcast_in_dim3A_89 : i32 to vector<16xi32>
    %gather3A_91 = tpu.vector_load_idx %arg19[%add3A_31, %broadcast_in_dim3A_90] : memref<128x16xf32, #tpu.memory_space<vmem>>[vector<16xi32>, vector<16xi32>], vector<16xf32>,
    %add3A_92 = arith.addf %add3A_88, %gather3A_91 : vector<16xf32>
    %broadcast_in_dim3A_93 = arith.constant 15 : i32
    %broadcast_in_dim3A_94 = vector.broadcast %broadcast_in_dim3A_93 : i32 to vector<16xi32>
    %gather3A_95 = tpu.vector_load_idx %arg19[%add3A_31, %broadcast_in_dim3A_94] : memref<128x16xf32, #tpu.memory_space<vmem>>[vector<16xi32>, vector<16xi32>], vector<16xf32>,
    %add3A_96 = arith.addf %add3A_92, %gather3A_95 : vector<16xf32>
    %add3A_97 = arith.addf %add3A_96, %get3A_28 : vector<16xf32>
    %neg3A = arith.constant 0.000000e+00 : f32
    %neg3A_98 = vector.broadcast %neg3A : f32 to vector<16xf32>
    %neg3A_99 = arith.subf %neg3A_98, %add3A_97 : vector<16xf32>
    %exp3A = math.exp %neg3A_99 : vector<16xf32>
    %add3A_100 = arith.constant 1.000000e+00 : f32
    %add3A_101 = vector.broadcast %add3A_100 : f32 to vector<16xf32>
    %add3A_102 = arith.addf %add3A_101, %exp3A : vector<16xf32>
    %div3A = arith.constant 1.000000e+00 : f32
    %div3A_103 = vector.broadcast %div3A : f32 to vector<16xf32>
    %div3A_104 = arith.divf %div3A_103, %add3A_102 : vector<16xf32>
    %swap3A = arith.constant 0 : index
    %swap3A_105 = tpu.vector_load %arg20[%swap3A] {strides = array<i32>} : memref<128xf32, #tpu.memory_space<vmem>>, vector<16xf32>,
    tpu.vector_store %arg20[%swap3A], %div3A_104 {strides = array<i32>} : memref<128xf32, #tpu.memory_space<vmem>>, vector<16xf32>,
    %add3A_106 = arith.constant 16 : i32
    %add3A_107 = vector.broadcast %add3A_106 : i32 to vector<16xi32>
    %add3A_108 = arith.addi %add3A_107, %iota3A : vector<16xi32>
    %broadcast_in_dim3A_109 = arith.constant 0.000000e+00 : f32
    %broadcast_in_dim3A_110 = vector.broadcast %broadcast_in_dim3A_109 : f32 to vector<16xf32>
    %broadcast_in_dim3A_111 = arith.constant 0 : i32
    %broadcast_in_dim3A_112 = vector.broadcast %broadcast_in_dim3A_111 : i32 to vector<16xi32>
    %gather3A_113 = tpu.vector_load_idx %arg19[%add3A_108, %broadcast_in_dim3A_112] : memref<128x16xf32, #tpu.memory_space<vmem>>[vector<16xi32>, vector<16xi32>], vector<16xf32>,
    %add3A_114 = arith.addf %broadcast_in_dim3A_110, %gather3A_113 : vector<16xf32>
    %broadcast_in_dim3A_115 = arith.constant 1 : i32
    %broadcast_in_dim3A_116 = vector.broadcast %broadcast_in_dim3A_115 : i32 to vector<16xi32>
    %gather3A_117 = tpu.vector_load_idx %arg19[%add3A_108, %broadcast_in_dim3A_116] : memref<128x16xf32, #tpu.memory_space<vmem>>[vector<16xi32>, vector<16xi32>], vector<16xf32>,
    %add3A_118 = arith.addf %add3A_114, %gather3A_117 : vector<16xf32>
    %broadcast_in_dim3A_119 = arith.constant 2 : i32
    %broadcast_in_dim3A_120 = vector.broadcast %broadcast_in_dim3A_119 : i32 to vector<16xi32>
    %gather3A_121 = tpu.vector_load_idx %arg19[%add3A_108, %broadcast_in_dim3A_120] : memref<128x16xf32, #tpu.memory_space<vmem>>[vector<16xi32>, vector<16xi32>], vector<16xf32>,
    %add3A_122 = arith.addf %add3A_118, %gather3A_121 : vector<16xf32>
    %broadcast_in_dim3A_123 = arith.constant 3 : i32
    %broadcast_in_dim3A_124 = vector.broadcast %broadcast_in_dim3A_123 : i32 to vector<16xi32>
    %gather3A_125 = tpu.vector_load_idx %arg19[%add3A_108, %broadcast_in_dim3A_124] : memref<128x16xf32, #tpu.memory_space<vmem>>[vector<16xi32>, vector<16xi32>], vector<16xf32>,
    %add3A_126 = arith.addf %add3A_122, %gather3A_125 : vector<16xf32>
    %broadcast_in_dim3A_127 = arith.constant 4 : i32
    %broadcast_in_dim3A_128 = vector.broadcast %broadcast_in_dim3A_127 : i32 to vector<16xi32>
    %gather3A_129 = tpu.vector_load_idx %arg19[%add3A_108, %broadcast_in_dim3A_128] : memref<128x16xf32, #tpu.memory_space<vmem>>[vector<16xi32>, vector<16xi32>], vector<16xf32>,
    %add3A_130 = arith.addf %add3A_126, %gather3A_129 : vector<16xf32>
    %broadcast_in_dim3A_131 = arith.constant 5 : i32
    %broadcast_in_dim3A_132 = vector.broadcast %broadcast_in_dim3A_131 : i32 to vector<16xi32>
    %gather3A_133 = tpu.vector_load_idx %arg19[%add3A_108, %broadcast_in_dim3A_132] : memref<128x16xf32, #tpu.memory_space<vmem>>[vector<16xi32>, vector<16xi32>], vector<16xf32>,
    %add3A_134 = arith.addf %add3A_130, %gather3A_133 : vector<16xf32>
    %broadcast_in_dim3A_135 = arith.constant 6 : i32
    %broadcast_in_dim3A_136 = vector.broadcast %broadcast_in_dim3A_135 : i32 to vector<16xi32>
    %gather3A_137 = tpu.vector_load_idx %arg19[%add3A_108, %broadcast_in_dim3A_136] : memref<128x16xf32, #tpu.memory_space<vmem>>[vector<16xi32>, vector<16xi32>], vector<16xf32>,
    %add3A_138 = arith.addf %add3A_134, %gather3A_137 : vector<16xf32>
    %broadcast_in_dim3A_139 = arith.constant 7 : i32
    %broadcast_in_dim3A_140 = vector.broadcast %broadcast_in_dim3A_139 : i32 to vector<16xi32>
    %gather3A_141 = tpu.vector_load_idx %arg19[%add3A_108, %broadcast_in_dim3A_140] : memref<128x16xf32, #tpu.memory_space<vmem>>[vector<16xi32>, vector<16xi32>], vector<16xf32>,
    %add3A_142 = arith.addf %add3A_138, %gather3A_141 : vector<16xf32>
    %broadcast_in_dim3A_143 = arith.constant 8 : i32
    %broadcast_in_dim3A_144 = vector.broadcast %broadcast_in_dim3A_143 : i32 to vector<16xi32>
    %gather3A_145 = tpu.vector_load_idx %arg19[%add3A_108, %broadcast_in_dim3A_144] : memref<128x16xf32, #tpu.memory_space<vmem>>[vector<16xi32>, vector<16xi32>], vector<16xf32>,
    %add3A_146 = arith.addf %add3A_142, %gather3A_145 : vector<16xf32>
    %broadcast_in_dim3A_147 = arith.constant 9 : i32
    %broadcast_in_dim3A_148 = vector.broadcast %broadcast_in_dim3A_147 : i32 to vector<16xi32>
    %gather3A_149 = tpu.vector_load_idx %arg19[%add3A_108, %broadcast_in_dim3A_148] : memref<128x16xf32, #tpu.memory_space<vmem>>[vector<16xi32>, vector<16xi32>], vector<16xf32>,
    %add3A_150 = arith.addf %add3A_146, %gather3A_149 : vector<16xf32>
    %broadcast_in_dim3A_151 = arith.constant 10 : i32
    %broadcast_in_dim3A_152 = vector.broadcast %broadcast_in_dim3A_151 : i32 to vector<16xi32>
    %gather3A_153 = tpu.vector_load_idx %arg19[%add3A_108, %broadcast_in_dim3A_152] : memref<128x16xf32, #tpu.memory_space<vmem>>[vector<16xi32>, vector<16xi32>], vector<16xf32>,
    %add3A_154 = arith.addf %add3A_150, %gather3A_153 : vector<16xf32>
    %broadcast_in_dim3A_155 = arith.constant 11 : i32
    %broadcast_in_dim3A_156 = vector.broadcast %broadcast_in_dim3A_155 : i32 to vector<16xi32>
    %gather3A_157 = tpu.vector_load_idx %arg19[%add3A_108, %broadcast_in_dim3A_156] : memref<128x16xf32, #tpu.memory_space<vmem>>[vector<16xi32>, vector<16xi32>], vector<16xf32>,
    %add3A_158 = arith.addf %add3A_154, %gather3A_157 : vector<16xf32>
    %broadcast_in_dim3A_159 = arith.constant 12 : i32
    %broadcast_in_dim3A_160 = vector.broadcast %broadcast_in_dim3A_159 : i32 to vector<16xi32>
    %gather3A_161 = tpu.vector_load_idx %arg19[%add3A_108, %broadcast_in_dim3A_160] : memref<128x16xf32, #tpu.memory_space<vmem>>[vector<16xi32>, vector<16xi32>], vector<16xf32>,
    %add3A_162 = arith.addf %add3A_158, %gather3A_161 : vector<16xf32>
    %broadcast_in_dim3A_163 = arith.constant 13 : i32
    %broadcast_in_dim3A_164 = vector.broadcast %broadcast_in_dim3A_163 : i32 to vector<16xi32>
    %gather3A_165 = tpu.vector_load_idx %arg19[%add3A_108, %broadcast_in_dim3A_164] : memref<128x16xf32, #tpu.memory_space<vmem>>[vector<16xi32>, vector<16xi32>], vector<16xf32>,
    %add3A_166 = arith.addf %add3A_162, %gather3A_165 : vector<16xf32>
    %broadcast_in_dim3A_167 = arith.constant 14 : i32
    %broadcast_in_dim3A_168 = vector.broadcast %broadcast_in_dim3A_167 : i32 to vector<16xi32>
    %gather3A_169 = tpu.vector_load_idx %arg19[%add3A_108, %broadcast_in_dim3A_168] : memref<128x16xf32, #tpu.memory_space<vmem>>[vector<16xi32>, vector<16xi32>], vector<16xf32>,
    %add3A_170 = arith.addf %add3A_166, %gather3A_169 : vector<16xf32>
    %broadcast_in_dim3A_171 = arith.constant 15 : i32
    %broadcast_in_dim3A_172 = vector.broadcast %broadcast_in_dim3A_171 : i32 to vector<16xi32>
    %gather3A_173 = tpu.vector_load_idx %arg19[%add3A_108, %broadcast_in_dim3A_172] : memref<128x16xf32, #tpu.memory_space<vmem>>[vector<16xi32>, vector<16xi32>], vector<16xf32>,
    %add3A_174 = arith.addf %add3A_170, %gather3A_173 : vector<16xf32>
    %add3A_175 = arith.addf %add3A_174, %get3A_28 : vector<16xf32>
    %neg3A_176 = arith.constant 0.000000e+00 : f32
    %neg3A_177 = vector.broadcast %neg3A_176 : f32 to vector<16xf32>
    %neg3A_178 = arith.subf %neg3A_177, %add3A_175 : vector<16xf32>
    %exp3A_179 = math.exp %neg3A_178 : vector<16xf32>
    %add3A_180 = arith.constant 1.000000e+00 : f32
    %add3A_181 = vector.broadcast %add3A_180 : f32 to vector<16xf32>
    %add3A_182 = arith.addf %add3A_181, %exp3A_179 : vector<16xf32>
    %div3A_183 = arith.constant 1.000000e+00 : f32
    %div3A_184 = vector.broadcast %div3A_183 : f32 to vector<16xf32>
    %div3A_185 = arith.divf %div3A_184, %add3A_182 : vector<16xf32>
    %swap3A_186 = arith.constant 16 : index
    %swap3A_187 = tpu.vector_load %arg20[%swap3A_186] {strides = array<i32>} : memref<128xf32, #tpu.memory_space<vmem>>, vector<16xf32>,
    tpu.vector_store %arg20[%swap3A_186], %div3A_185 {strides = array<i32>} : memref<128xf32, #tpu.memory_space<vmem>>, vector<16xf32>,
    %add3A_188 = arith.constant 32 : i32
    %add3A_189 = vector.broadcast %add3A_188 : i32 to vector<16xi32>
    %add3A_190 = arith.addi %add3A_189, %iota3A : vector<16xi32>
    %broadcast_in_dim3A_191 = arith.constant 0.000000e+00 : f32
    %broadcast_in_dim3A_192 = vector.broadcast %broadcast_in_dim3A_191 : f32 to vector<16xf32>
    %broadcast_in_dim3A_193 = arith.constant 0 : i32
    %broadcast_in_dim3A_194 = vector.broadcast %broadcast_in_dim3A_193 : i32 to vector<16xi32>
    %gather3A_195 = tpu.vector_load_idx %arg19[%add3A_190, %broadcast_in_dim3A_194] : memref<128x16xf32, #tpu.memory_space<vmem>>[vector<16xi32>, vector<16xi32>], vector<16xf32>,
    %add3A_196 = arith.addf %broadcast_in_dim3A_192, %gather3A_195 : vector<16xf32>
    %broadcast_in_dim3A_197 = arith.constant 1 : i32
    %broadcast_in_dim3A_198 = vector.broadcast %broadcast_in_dim3A_197 : i32 to vector<16xi32>
    %gather3A_199 = tpu.vector_load_idx %arg19[%add3A_190, %broadcast_in_dim3A_198] : memref<128x16xf32, #tpu.memory_space<vmem>>[vector<16xi32>, vector<16xi32>], vector<16xf32>,
    %add3A_200 = arith.addf %add3A_196, %gather3A_199 : vector<16xf32>
    %broadcast_in_dim3A_201 = arith.constant 2 : i32
    %broadcast_in_dim3A_202 = vector.broadcast %broadcast_in_dim3A_201 : i32 to vector<16xi32>
    %gather3A_203 = tpu.vector_load_idx %arg19[%add3A_190, %broadcast_in_dim3A_202] : memref<128x16xf32, #tpu.memory_space<vmem>>[vector<16xi32>, vector<16xi32>], vector<16xf32>,
    %add3A_204 = arith.addf %add3A_200, %gather3A_203 : vector<16xf32>
    %broadcast_in_dim3A_205 = arith.constant 3 : i32
    %broadcast_in_dim3A_206 = vector.broadcast %broadcast_in_dim3A_205 : i32 to vector<16xi32>
    %gather3A_207 = tpu.vector_load_idx %arg19[%add3A_190, %broadcast_in_dim3A_206] : memref<128x16xf32, #tpu.memory_space<vmem>>[vector<16xi32>, vector<16xi32>], vector<16xf32>,
    %add3A_208 = arith.addf %add3A_204, %gather3A_207 : vector<16xf32>
    %broadcast_in_dim3A_209 = arith.constant 4 : i32
    %broadcast_in_dim3A_210 = vector.broadcast %broadcast_in_dim3A_209 : i32 to vector<16xi32>
    %gather3A_211 = tpu.vector_load_idx %arg19[%add3A_190, %broadcast_in_dim3A_210] : memref<128x16xf32, #tpu.memory_space<vmem>>[vector<16xi32>, vector<16xi32>], vector<16xf32>,
    %add3A_212 = arith.addf %add3A_208, %gather3A_211 : vector<16xf32>
    %broadcast_in_dim3A_213 = arith.constant 5 : i32
    %broadcast_in_dim3A_214 = vector.broadcast %broadcast_in_dim3A_213 : i32 to vector<16xi32>
    %gather3A_215 = tpu.vector_load_idx %arg19[%add3A_190, %broadcast_in_dim3A_214] : memref<128x16xf32, #tpu.memory_space<vmem>>[vector<16xi32>, vector<16xi32>], vector<16xf32>,
    %add3A_216 = arith.addf %add3A_212, %gather3A_215 : vector<16xf32>
    %broadcast_in_dim3A_217 = arith.constant 6 : i32
    %broadcast_in_dim3A_218 = vector.broadcast %broadcast_in_dim3A_217 : i32 to vector<16xi32>
    %gather3A_219 = tpu.vector_load_idx %arg19[%add3A_190, %broadcast_in_dim3A_218] : memref<128x16xf32, #tpu.memory_space<vmem>>[vector<16xi32>, vector<16xi32>], vector<16xf32>,
    %add3A_220 = arith.addf %add3A_216, %gather3A_219 : vector<16xf32>
    %broadcast_in_dim3A_221 = arith.constant 7 : i32
    %broadcast_in_dim3A_222 = vector.broadcast %broadcast_in_dim3A_221 : i32 to vector<16xi32>
    %gather3A_223 = tpu.vector_load_idx %arg19[%add3A_190, %broadcast_in_dim3A_222] : memref<128x16xf32, #tpu.memory_space<vmem>>[vector<16xi32>, vector<16xi32>], vector<16xf32>,
    %add3A_224 = arith.addf %add3A_220, %gather3A_223 : vector<16xf32>
    %broadcast_in_dim3A_225 = arith.constant 8 : i32
    %broadcast_in_dim3A_226 = vector.broadcast %broadcast_in_dim3A_225 : i32 to vector<16xi32>
    %gather3A_227 = tpu.vector_load_idx %arg19[%add3A_190, %broadcast_in_dim3A_226] : memref<128x16xf32, #tpu.memory_space<vmem>>[vector<16xi32>, vector<16xi32>], vector<16xf32>,
    %add3A_228 = arith.addf %add3A_224, %gather3A_227 : vector<16xf32>
    %broadcast_in_dim3A_229 = arith.constant 9 : i32
    %broadcast_in_dim3A_230 = vector.broadcast %broadcast_in_dim3A_229 : i32 to vector<16xi32>
    %gather3A_231 = tpu.vector_load_idx %arg19[%add3A_190, %broadcast_in_dim3A_230] : memref<128x16xf32, #tpu.memory_space<vmem>>[vector<16xi32>, vector<16xi32>], vector<16xf32>,
    %add3A_232 = arith.addf %add3A_228, %gather3A_231 : vector<16xf32>
    %broadcast_in_dim3A_233 = arith.constant 10 : i32
    %broadcast_in_dim3A_234 = vector.broadcast %broadcast_in_dim3A_233 : i32 to vector<16xi32>
    %gather3A_235 = tpu.vector_load_idx %arg19[%add3A_190, %broadcast_in_dim3A_234] : memref<128x16xf32, #tpu.memory_space<vmem>>[vector<16xi32>, vector<16xi32>], vector<16xf32>,
    %add3A_236 = arith.addf %add3A_232, %gather3A_235 : vector<16xf32>
    %broadcast_in_dim3A_237 = arith.constant 11 : i32
    %broadcast_in_dim3A_238 = vector.broadcast %broadcast_in_dim3A_237 : i32 to vector<16xi32>
    %gather3A_239 = tpu.vector_load_idx %arg19[%add3A_190, %broadcast_in_dim3A_238] : memref<128x16xf32, #tpu.memory_space<vmem>>[vector<16xi32>, vector<16xi32>], vector<16xf32>,
    %add3A_240 = arith.addf %add3A_236, %gather3A_239 : vector<16xf32>
    %broadcast_in_dim3A_241 = arith.constant 12 : i32
    %broadcast_in_dim3A_242 = vector.broadcast %broadcast_in_dim3A_241 : i32 to vector<16xi32>
    %gather3A_243 = tpu.vector_load_idx %arg19[%add3A_190, %broadcast_in_dim3A_242] : memref<128x16xf32, #tpu.memory_space<vmem>>[vector<16xi32>, vector<16xi32>], vector<16xf32>,
    %add3A_244 = arith.addf %add3A_240, %gather3A_243 : vector<16xf32>
    %broadcast_in_dim3A_245 = arith.constant 13 : i32
    %broadcast_in_dim3A_246 = vector.broadcast %broadcast_in_dim3A_245 : i32 to vector<16xi32>
    %gather3A_247 = tpu.vector_load_idx %arg19[%add3A_190, %broadcast_in_dim3A_246] : memref<128x16xf32, #tpu.memory_space<vmem>>[vector<16xi32>, vector<16xi32>], vector<16xf32>,
    %add3A_248 = arith.addf %add3A_244, %gather3A_247 : vector<16xf32>
    %broadcast_in_dim3A_249 = arith.constant 14 : i32
    %broadcast_in_dim3A_250 = vector.broadcast %broadcast_in_dim3A_249 : i32 to vector<16xi32>
    %gather3A_251 = tpu.vector_load_idx %arg19[%add3A_190, %broadcast_in_dim3A_250] : memref<128x16xf32, #tpu.memory_space<vmem>>[vector<16xi32>, vector<16xi32>], vector<16xf32>,
    %add3A_252 = arith.addf %add3A_248, %gather3A_251 : vector<16xf32>
    %broadcast_in_dim3A_253 = arith.constant 15 : i32
    %broadcast_in_dim3A_254 = vector.broadcast %broadcast_in_dim3A_253 : i32 to vector<16xi32>
    %gather3A_255 = tpu.vector_load_idx %arg19[%add3A_190, %broadcast_in_dim3A_254] : memref<128x16xf32, #tpu.memory_space<vmem>>[vector<16xi32>, vector<16xi32>], vector<16xf32>,
    %add3A_256 = arith.addf %add3A_252, %gather3A_255 : vector<16xf32>
    %add3A_257 = arith.addf %add3A_256, %get3A_28 : vector<16xf32>
    %neg3A_258 = arith.constant 0.000000e+00 : f32
    %neg3A_259 = vector.broadcast %neg3A_258 : f32 to vector<16xf32>
    %neg3A_260 = arith.subf %neg3A_259, %add3A_257 : vector<16xf32>
    %exp3A_261 = math.exp %neg3A_260 : vector<16xf32>
    %add3A_262 = arith.constant 1.000000e+00 : f32
    %add3A_263 = vector.broadcast %add3A_262 : f32 to vector<16xf32>
    %add3A_264 = arith.addf %add3A_263, %exp3A_261 : vector<16xf32>
    %div3A_265 = arith.constant 1.000000e+00 : f32
    %div3A_266 = vector.broadcast %div3A_265 : f32 to vector<16xf32>
    %div3A_267 = arith.divf %div3A_266, %add3A_264 : vector<16xf32>
    %swap3A_268 = arith.constant 32 : index
    %swap3A_269 = tpu.vector_load %arg20[%swap3A_268] {strides = array<i32>} : memref<128xf32, #tpu.memory_space<vmem>>, vector<16xf32>,
    tpu.vector_store %arg20[%swap3A_268], %div3A_267 {strides = array<i32>} : memref<128xf32, #tpu.memory_space<vmem>>, vector<16xf32>,
    %add3A_270 = arith.constant 48 : i32
    %add3A_271 = vector.broadcast %add3A_270 : i32 to vector<16xi32>
    %add3A_272 = arith.addi %add3A_271, %iota3A : vector<16xi32>
    %broadcast_in_dim3A_273 = arith.constant 0.000000e+00 : f32
    %broadcast_in_dim3A_274 = vector.broadcast %broadcast_in_dim3A_273 : f32 to vector<16xf32>
    %broadcast_in_dim3A_275 = arith.constant 0 : i32
    %broadcast_in_dim3A_276 = vector.broadcast %broadcast_in_dim3A_275 : i32 to vector<16xi32>
    %gather3A_277 = tpu.vector_load_idx %arg19[%add3A_272, %broadcast_in_dim3A_276] : memref<128x16xf32, #tpu.memory_space<vmem>>[vector<16xi32>, vector<16xi32>], vector<16xf32>,
    %add3A_278 = arith.addf %broadcast_in_dim3A_274, %gather3A_277 : vector<16xf32>
    %broadcast_in_dim3A_279 = arith.constant 1 : i32
    %broadcast_in_dim3A_280 = vector.broadcast %broadcast_in_dim3A_279 : i32 to vector<16xi32>
    %gather3A_281 = tpu.vector_load_idx %arg19[%add3A_272, %broadcast_in_dim3A_280] : memref<128x16xf32, #tpu.memory_space<vmem>>[vector<16xi32>, vector<16xi32>], vector<16xf32>,
    %add3A_282 = arith.addf %add3A_278, %gather3A_281 : vector<16xf32>
    %broadcast_in_dim3A_283 = arith.constant 2 : i32
    %broadcast_in_dim3A_284 = vector.broadcast %broadcast_in_dim3A_283 : i32 to vector<16xi32>
    %gather3A_285 = tpu.vector_load_idx %arg19[%add3A_272, %broadcast_in_dim3A_284] : memref<128x16xf32, #tpu.memory_space<vmem>>[vector<16xi32>, vector<16xi32>], vector<16xf32>,
    %add3A_286 = arith.addf %add3A_282, %gather3A_285 : vector<16xf32>
    %broadcast_in_dim3A_287 = arith.constant 3 : i32
    %broadcast_in_dim3A_288 = vector.broadcast %broadcast_in_dim3A_287 : i32 to vector<16xi32>
    %gather3A_289 = tpu.vector_load_idx %arg19[%add3A_272, %broadcast_in_dim3A_288] : memref<128x16xf32, #tpu.memory_space<vmem>>[vector<16xi32>, vector<16xi32>], vector<16xf32>,
    %add3A_290 = arith.addf %add3A_286, %gather3A_289 : vector<16xf32>
    %broadcast_in_dim3A_291 = arith.constant 4 : i32
    %broadcast_in_dim3A_292 = vector.broadcast %broadcast_in_dim3A_291 : i32 to vector<16xi32>
    %gather3A_293 = tpu.vector_load_idx %arg19[%add3A_272, %broadcast_in_dim3A_292] : memref<128x16xf32, #tpu.memory_space<vmem>>[vector<16xi32>, vector<16xi32>], vector<16xf32>,
    %add3A_294 = arith.addf %add3A_290, %gather3A_293 : vector<16xf32>
    %broadcast_in_dim3A_295 = arith.constant 5 : i32
    %broadcast_in_dim3A_296 = vector.broadcast %broadcast_in_dim3A_295 : i32 to vector<16xi32>
    %gather3A_297 = tpu.vector_load_idx %arg19[%add3A_272, %broadcast_in_dim3A_296] : memref<128x16xf32, #tpu.memory_space<vmem>>[vector<16xi32>, vector<16xi32>], vector<16xf32>,
    %add3A_298 = arith.addf %add3A_294, %gather3A_297 : vector<16xf32>
    %broadcast_in_dim3A_299 = arith.constant 6 : i32
    %broadcast_in_dim3A_300 = vector.broadcast %broadcast_in_dim3A_299 : i32 to vector<16xi32>
    %gather3A_301 = tpu.vector_load_idx %arg19[%add3A_272, %broadcast_in_dim3A_300] : memref<128x16xf32, #tpu.memory_space<vmem>>[vector<16xi32>, vector<16xi32>], vector<16xf32>,
    %add3A_302 = arith.addf %add3A_298, %gather3A_301 : vector<16xf32>
    %broadcast_in_dim3A_303 = arith.constant 7 : i32
    %broadcast_in_dim3A_304 = vector.broadcast %broadcast_in_dim3A_303 : i32 to vector<16xi32>
    %gather3A_305 = tpu.vector_load_idx %arg19[%add3A_272, %broadcast_in_dim3A_304] : memref<128x16xf32, #tpu.memory_space<vmem>>[vector<16xi32>, vector<16xi32>], vector<16xf32>,
    %add3A_306 = arith.addf %add3A_302, %gather3A_305 : vector<16xf32>
    %broadcast_in_dim3A_307 = arith.constant 8 : i32
    %broadcast_in_dim3A_308 = vector.broadcast %broadcast_in_dim3A_307 : i32 to vector<16xi32>
    %gather3A_309 = tpu.vector_load_idx %arg19[%add3A_272, %broadcast_in_dim3A_308] : memref<128x16xf32, #tpu.memory_space<vmem>>[vector<16xi32>, vector<16xi32>], vector<16xf32>,
    %add3A_310 = arith.addf %add3A_306, %gather3A_309 : vector<16xf32>
    %broadcast_in_dim3A_311 = arith.constant 9 : i32
    %broadcast_in_dim3A_312 = vector.broadcast %broadcast_in_dim3A_311 : i32 to vector<16xi32>
    %gather3A_313 = tpu.vector_load_idx %arg19[%add3A_272, %broadcast_in_dim3A_312] : memref<128x16xf32, #tpu.memory_space<vmem>>[vector<16xi32>, vector<16xi32>], vector<16xf32>,
    %add3A_314 = arith.addf %add3A_310, %gather3A_313 : vector<16xf32>
    %broadcast_in_dim3A_315 = arith.constant 10 : i32
    %broadcast_in_dim3A_316 = vector.broadcast %broadcast_in_dim3A_315 : i32 to vector<16xi32>
    %gather3A_317 = tpu.vector_load_idx %arg19[%add3A_272, %broadcast_in_dim3A_316] : memref<128x16xf32, #tpu.memory_space<vmem>>[vector<16xi32>, vector<16xi32>], vector<16xf32>,
    %add3A_318 = arith.addf %add3A_314, %gather3A_317 : vector<16xf32>
    %broadcast_in_dim3A_319 = arith.constant 11 : i32
    %broadcast_in_dim3A_320 = vector.broadcast %broadcast_in_dim3A_319 : i32 to vector<16xi32>
    %gather3A_321 = tpu.vector_load_idx %arg19[%add3A_272, %broadcast_in_dim3A_320] : memref<128x16xf32, #tpu.memory_space<vmem>>[vector<16xi32>, vector<16xi32>], vector<16xf32>,
    %add3A_322 = arith.addf %add3A_318, %gather3A_321 : vector<16xf32>
    %broadcast_in_dim3A_323 = arith.constant 12 : i32
    %broadcast_in_dim3A_324 = vector.broadcast %broadcast_in_dim3A_323 : i32 to vector<16xi32>
    %gather3A_325 = tpu.vector_load_idx %arg19[%add3A_272, %broadcast_in_dim3A_324] : memref<128x16xf32, #tpu.memory_space<vmem>>[vector<16xi32>, vector<16xi32>], vector<16xf32>,
    %add3A_326 = arith.addf %add3A_322, %gather3A_325 : vector<16xf32>
    %broadcast_in_dim3A_327 = arith.constant 13 : i32
    %broadcast_in_dim3A_328 = vector.broadcast %broadcast_in_dim3A_327 : i32 to vector<16xi32>
    %gather3A_329 = tpu.vector_load_idx %arg19[%add3A_272, %broadcast_in_dim3A_328] : memref<128x16xf32, #tpu.memory_space<vmem>>[vector<16xi32>, vector<16xi32>], vector<16xf32>,
    %add3A_330 = arith.addf %add3A_326, %gather3A_329 : vector<16xf32>
    %broadcast_in_dim3A_331 = arith.constant 14 : i32
    %broadcast_in_dim3A_332 = vector.broadcast %broadcast_in_dim3A_331 : i32 to vector<16xi32>
    %gather3A_333 = tpu.vector_load_idx %arg19[%add3A_272, %broadcast_in_dim3A_332] : memref<128x16xf32, #tpu.memory_space<vmem>>[vector<16xi32>, vector<16xi32>], vector<16xf32>,
    %add3A_334 = arith.addf %add3A_330, %gather3A_333 : vector<16xf32>
    %broadcast_in_dim3A_335 = arith.constant 15 : i32
    %broadcast_in_dim3A_336 = vector.broadcast %broadcast_in_dim3A_335 : i32 to vector<16xi32>
    %gather3A_337 = tpu.vector_load_idx %arg19[%add3A_272, %broadcast_in_dim3A_336] : memref<128x16xf32, #tpu.memory_space<vmem>>[vector<16xi32>, vector<16xi32>], vector<16xf32>,
    %add3A_338 = arith.addf %add3A_334, %gather3A_337 : vector<16xf32>
    %add3A_339 = arith.addf %add3A_338, %get3A_28 : vector<16xf32>
    %neg3A_340 = arith.constant 0.000000e+00 : f32
    %neg3A_341 = vector.broadcast %neg3A_340 : f32 to vector<16xf32>
    %neg3A_342 = arith.subf %neg3A_341, %add3A_339 : vector<16xf32>
    %exp3A_343 = math.exp %neg3A_342 : vector<16xf32>
    %add3A_344 = arith.constant 1.000000e+00 : f32
    %add3A_345 = vector.broadcast %add3A_344 : f32 to vector<16xf32>
    %add3A_346 = arith.addf %add3A_345, %exp3A_343 : vector<16xf32>
    %div3A_347 = arith.constant 1.000000e+00 : f32
    %div3A_348 = vector.broadcast %div3A_347 : f32 to vector<16xf32>
    %div3A_349 = arith.divf %div3A_348, %add3A_346 : vector<16xf32>
    %swap3A_350 = arith.constant 48 : index
    %swap3A_351 = tpu.vector_load %arg20[%swap3A_350] {strides = array<i32>} : memref<128xf32, #tpu.memory_space<vmem>>, vector<16xf32>,
    tpu.vector_store %arg20[%swap3A_350], %div3A_349 {strides = array<i32>} : memref<128xf32, #tpu.memory_space<vmem>>, vector<16xf32>,
    %add3A_352 = arith.constant 64 : i32
    %add3A_353 = vector.broadcast %add3A_352 : i32 to vector<16xi32>
    %add3A_354 = arith.addi %add3A_353, %iota3A : vector<16xi32>
    %broadcast_in_dim3A_355 = arith.constant 0.000000e+00 : f32
    %broadcast_in_dim3A_356 = vector.broadcast %broadcast_in_dim3A_355 : f32 to vector<16xf32>
    %broadcast_in_dim3A_357 = arith.constant 0 : i32
    %broadcast_in_dim3A_358 = vector.broadcast %broadcast_in_dim3A_357 : i32 to vector<16xi32>
    %gather3A_359 = tpu.vector_load_idx %arg19[%add3A_354, %broadcast_in_dim3A_358] : memref<128x16xf32, #tpu.memory_space<vmem>>[vector<16xi32>, vector<16xi32>], vector<16xf32>,
    %add3A_360 = arith.addf %broadcast_in_dim3A_356, %gather3A_359 : vector<16xf32>
    %broadcast_in_dim3A_361 = arith.constant 1 : i32
    %broadcast_in_dim3A_362 = vector.broadcast %broadcast_in_dim3A_361 : i32 to vector<16xi32>
    %gather3A_363 = tpu.vector_load_idx %arg19[%add3A_354, %broadcast_in_dim3A_362] : memref<128x16xf32, #tpu.memory_space<vmem>>[vector<16xi32>, vector<16xi32>], vector<16xf32>,
    %add3A_364 = arith.addf %add3A_360, %gather3A_363 : vector<16xf32>
    %broadcast_in_dim3A_365 = arith.constant 2 : i32
    %broadcast_in_dim3A_366 = vector.broadcast %broadcast_in_dim3A_365 : i32 to vector<16xi32>
    %gather3A_367 = tpu.vector_load_idx %arg19[%add3A_354, %broadcast_in_dim3A_366] : memref<128x16xf32, #tpu.memory_space<vmem>>[vector<16xi32>, vector<16xi32>], vector<16xf32>,
    %add3A_368 = arith.addf %add3A_364, %gather3A_367 : vector<16xf32>
    %broadcast_in_dim3A_369 = arith.constant 3 : i32
    %broadcast_in_dim3A_370 = vector.broadcast %broadcast_in_dim3A_369 : i32 to vector<16xi32>
    %gather3A_371 = tpu.vector_load_idx %arg19[%add3A_354, %broadcast_in_dim3A_370] : memref<128x16xf32, #tpu.memory_space<vmem>>[vector<16xi32>, vector<16xi32>], vector<16xf32>,
    %add3A_372 = arith.addf %add3A_368, %gather3A_371 : vector<16xf32>
    %broadcast_in_dim3A_373 = arith.constant 4 : i32
    %broadcast_in_dim3A_374 = vector.broadcast %broadcast_in_dim3A_373 : i32 to vector<16xi32>
    %gather3A_375 = tpu.vector_load_idx %arg19[%add3A_354, %broadcast_in_dim3A_374] : memref<128x16xf32, #tpu.memory_space<vmem>>[vector<16xi32>, vector<16xi32>], vector<16xf32>,
    %add3A_376 = arith.addf %add3A_372, %gather3A_375 : vector<16xf32>
    %broadcast_in_dim3A_377 = arith.constant 5 : i32
    %broadcast_in_dim3A_378 = vector.broadcast %broadcast_in_dim3A_377 : i32 to vector<16xi32>
    %gather3A_379 = tpu.vector_load_idx %arg19[%add3A_354, %broadcast_in_dim3A_378] : memref<128x16xf32, #tpu.memory_space<vmem>>[vector<16xi32>, vector<16xi32>], vector<16xf32>,
    %add3A_380 = arith.addf %add3A_376, %gather3A_379 : vector<16xf32>
    %broadcast_in_dim3A_381 = arith.constant 6 : i32
    %broadcast_in_dim3A_382 = vector.broadcast %broadcast_in_dim3A_381 : i32 to vector<16xi32>
    %gather3A_383 = tpu.vector_load_idx %arg19[%add3A_354, %broadcast_in_dim3A_382] : memref<128x16xf32, #tpu.memory_space<vmem>>[vector<16xi32>, vector<16xi32>], vector<16xf32>,
    %add3A_384 = arith.addf %add3A_380, %gather3A_383 : vector<16xf32>
    %broadcast_in_dim3A_385 = arith.constant 7 : i32
    %broadcast_in_dim3A_386 = vector.broadcast %broadcast_in_dim3A_385 : i32 to vector<16xi32>
    %gather3A_387 = tpu.vector_load_idx %arg19[%add3A_354, %broadcast_in_dim3A_386] : memref<128x16xf32, #tpu.memory_space<vmem>>[vector<16xi32>, vector<16xi32>], vector<16xf32>,
    %add3A_388 = arith.addf %add3A_384, %gather3A_387 : vector<16xf32>
    %broadcast_in_dim3A_389 = arith.constant 8 : i32
    %broadcast_in_dim3A_390 = vector.broadcast %broadcast_in_dim3A_389 : i32 to vector<16xi32>
    %gather3A_391 = tpu.vector_load_idx %arg19[%add3A_354, %broadcast_in_dim3A_390] : memref<128x16xf32, #tpu.memory_space<vmem>>[vector<16xi32>, vector<16xi32>], vector<16xf32>,
    %add3A_392 = arith.addf %add3A_388, %gather3A_391 : vector<16xf32>
    %broadcast_in_dim3A_393 = arith.constant 9 : i32
    %broadcast_in_dim3A_394 = vector.broadcast %broadcast_in_dim3A_393 : i32 to vector<16xi32>
    %gather3A_395 = tpu.vector_load_idx %arg19[%add3A_354, %broadcast_in_dim3A_394] : memref<128x16xf32, #tpu.memory_space<vmem>>[vector<16xi32>, vector<16xi32>], vector<16xf32>,
    %add3A_396 = arith.addf %add3A_392, %gather3A_395 : vector<16xf32>
    %broadcast_in_dim3A_397 = arith.constant 10 : i32
    %broadcast_in_dim3A_398 = vector.broadcast %broadcast_in_dim3A_397 : i32 to vector<16xi32>
    %gather3A_399 = tpu.vector_load_idx %arg19[%add3A_354, %broadcast_in_dim3A_398] : memref<128x16xf32, #tpu.memory_space<vmem>>[vector<16xi32>, vector<16xi32>], vector<16xf32>,
    %add3A_400 = arith.addf %add3A_396, %gather3A_399 : vector<16xf32>
    %broadcast_in_dim3A_401 = arith.constant 11 : i32
    %broadcast_in_dim3A_402 = vector.broadcast %broadcast_in_dim3A_401 : i32 to vector<16xi32>
    %gather3A_403 = tpu.vector_load_idx %arg19[%add3A_354, %broadcast_in_dim3A_402] : memref<128x16xf32, #tpu.memory_space<vmem>>[vector<16xi32>, vector<16xi32>], vector<16xf32>,
    %add3A_404 = arith.addf %add3A_400, %gather3A_403 : vector<16xf32>
    %broadcast_in_dim3A_405 = arith.constant 12 : i32
    %broadcast_in_dim3A_406 = vector.broadcast %broadcast_in_dim3A_405 : i32 to vector<16xi32>
    %gather3A_407 = tpu.vector_load_idx %arg19[%add3A_354, %broadcast_in_dim3A_406] : memref<128x16xf32, #tpu.memory_space<vmem>>[vector<16xi32>, vector<16xi32>], vector<16xf32>,
    %add3A_408 = arith.addf %add3A_404, %gather3A_407 : vector<16xf32>
    %broadcast_in_dim3A_409 = arith.constant 13 : i32
    %broadcast_in_dim3A_410 = vector.broadcast %broadcast_in_dim3A_409 : i32 to vector<16xi32>
    %gather3A_411 = tpu.vector_load_idx %arg19[%add3A_354, %broadcast_in_dim3A_410] : memref<128x16xf32, #tpu.memory_space<vmem>>[vector<16xi32>, vector<16xi32>], vector<16xf32>,
    %add3A_412 = arith.addf %add3A_408, %gather3A_411 : vector<16xf32>
    %broadcast_in_dim3A_413 = arith.constant 14 : i32
    %broadcast_in_dim3A_414 = vector.broadcast %broadcast_in_dim3A_413 : i32 to vector<16xi32>
    %gather3A_415 = tpu.vector_load_idx %arg19[%add3A_354, %broadcast_in_dim3A_414] : memref<128x16xf32, #tpu.memory_space<vmem>>[vector<16xi32>, vector<16xi32>], vector<16xf32>,
    %add3A_416 = arith.addf %add3A_412, %gather3A_415 : vector<16xf32>
    %broadcast_in_dim3A_417 = arith.constant 15 : i32
    %broadcast_in_dim3A_418 = vector.broadcast %broadcast_in_dim3A_417 : i32 to vector<16xi32>
    %gather3A_419 = tpu.vector_load_idx %arg19[%add3A_354, %broadcast_in_dim3A_418] : memref<128x16xf32, #tpu.memory_space<vmem>>[vector<16xi32>, vector<16xi32>], vector<16xf32>,
    %add3A_420 = arith.addf %add3A_416, %gather3A_419 : vector<16xf32>
    %add3A_421 = arith.addf %add3A_420, %get3A_28 : vector<16xf32>
    %neg3A_422 = arith.constant 0.000000e+00 : f32
    %neg3A_423 = vector.broadcast %neg3A_422 : f32 to vector<16xf32>
    %neg3A_424 = arith.subf %neg3A_423, %add3A_421 : vector<16xf32>
    %exp3A_425 = math.exp %neg3A_424 : vector<16xf32>
    %add3A_426 = arith.constant 1.000000e+00 : f32
    %add3A_427 = vector.broadcast %add3A_426 : f32 to vector<16xf32>
    %add3A_428 = arith.addf %add3A_427, %exp3A_425 : vector<16xf32>
    %div3A_429 = arith.constant 1.000000e+00 : f32
    %div3A_430 = vector.broadcast %div3A_429 : f32 to vector<16xf32>
    %div3A_431 = arith.divf %div3A_430, %add3A_428 : vector<16xf32>
    %swap3A_432 = arith.constant 64 : index
    %swap3A_433 = tpu.vector_load %arg20[%swap3A_432] {strides = array<i32>} : memref<128xf32, #tpu.memory_space<vmem>>, vector<16xf32>,
    tpu.vector_store %arg20[%swap3A_432], %div3A_431 {strides = array<i32>} : memref<128xf32, #tpu.memory_space<vmem>>, vector<16xf32>,
    %add3A_434 = arith.constant 80 : i32
    %add3A_435 = vector.broadcast %add3A_434 : i32 to vector<16xi32>
    %add3A_436 = arith.addi %add3A_435, %iota3A : vector<16xi32>
    %broadcast_in_dim3A_437 = arith.constant 0.000000e+00 : f32
    %broadcast_in_dim3A_438 = vector.broadcast %broadcast_in_dim3A_437 : f32 to vector<16xf32>
    %broadcast_in_dim3A_439 = arith.constant 0 : i32
    %broadcast_in_dim3A_440 = vector.broadcast %broadcast_in_dim3A_439 : i32 to vector<16xi32>
    %gather3A_441 = tpu.vector_load_idx %arg19[%add3A_436, %broadcast_in_dim3A_440] : memref<128x16xf32, #tpu.memory_space<vmem>>[vector<16xi32>, vector<16xi32>], vector<16xf32>,
    %add3A_442 = arith.addf %broadcast_in_dim3A_438, %gather3A_441 : vector<16xf32>
    %broadcast_in_dim3A_443 = arith.constant 1 : i32
    %broadcast_in_dim3A_444 = vector.broadcast %broadcast_in_dim3A_443 : i32 to vector<16xi32>
    %gather3A_445 = tpu.vector_load_idx %arg19[%add3A_436, %broadcast_in_dim3A_444] : memref<128x16xf32, #tpu.memory_space<vmem>>[vector<16xi32>, vector<16xi32>], vector<16xf32>,
    %add3A_446 = arith.addf %add3A_442, %gather3A_445 : vector<16xf32>
    %broadcast_in_dim3A_447 = arith.constant 2 : i32
    %broadcast_in_dim3A_448 = vector.broadcast %broadcast_in_dim3A_447 : i32 to vector<16xi32>
    %gather3A_449 = tpu.vector_load_idx %arg19[%add3A_436, %broadcast_in_dim3A_448] : memref<128x16xf32, #tpu.memory_space<vmem>>[vector<16xi32>, vector<16xi32>], vector<16xf32>,
    %add3A_450 = arith.addf %add3A_446, %gather3A_449 : vector<16xf32>
    %broadcast_in_dim3A_451 = arith.constant 3 : i32
    %broadcast_in_dim3A_452 = vector.broadcast %broadcast_in_dim3A_451 : i32 to vector<16xi32>
    %gather3A_453 = tpu.vector_load_idx %arg19[%add3A_436, %broadcast_in_dim3A_452] : memref<128x16xf32, #tpu.memory_space<vmem>>[vector<16xi32>, vector<16xi32>], vector<16xf32>,
    %add3A_454 = arith.addf %add3A_450, %gather3A_453 : vector<16xf32>
    %broadcast_in_dim3A_455 = arith.constant 4 : i32
    %broadcast_in_dim3A_456 = vector.broadcast %broadcast_in_dim3A_455 : i32 to vector<16xi32>
    %gather3A_457 = tpu.vector_load_idx %arg19[%add3A_436, %broadcast_in_dim3A_456] : memref<128x16xf32, #tpu.memory_space<vmem>>[vector<16xi32>, vector<16xi32>], vector<16xf32>,
    %add3A_458 = arith.addf %add3A_454, %gather3A_457 : vector<16xf32>
    %broadcast_in_dim3A_459 = arith.constant 5 : i32
    %broadcast_in_dim3A_460 = vector.broadcast %broadcast_in_dim3A_459 : i32 to vector<16xi32>
    %gather3A_461 = tpu.vector_load_idx %arg19[%add3A_436, %broadcast_in_dim3A_460] : memref<128x16xf32, #tpu.memory_space<vmem>>[vector<16xi32>, vector<16xi32>], vector<16xf32>,
    %add3A_462 = arith.addf %add3A_458, %gather3A_461 : vector<16xf32>
    %broadcast_in_dim3A_463 = arith.constant 6 : i32
    %broadcast_in_dim3A_464 = vector.broadcast %broadcast_in_dim3A_463 : i32 to vector<16xi32>
    %gather3A_465 = tpu.vector_load_idx %arg19[%add3A_436, %broadcast_in_dim3A_464] : memref<128x16xf32, #tpu.memory_space<vmem>>[vector<16xi32>, vector<16xi32>], vector<16xf32>,
    %add3A_466 = arith.addf %add3A_462, %gather3A_465 : vector<16xf32>
    %broadcast_in_dim3A_467 = arith.constant 7 : i32
    %broadcast_in_dim3A_468 = vector.broadcast %broadcast_in_dim3A_467 : i32 to vector<16xi32>
    %gather3A_469 = tpu.vector_load_idx %arg19[%add3A_436, %broadcast_in_dim3A_468] : memref<128x16xf32, #tpu.memory_space<vmem>>[vector<16xi32>, vector<16xi32>], vector<16xf32>,
    %add3A_470 = arith.addf %add3A_466, %gather3A_469 : vector<16xf32>
    %broadcast_in_dim3A_471 = arith.constant 8 : i32
    %broadcast_in_dim3A_472 = vector.broadcast %broadcast_in_dim3A_471 : i32 to vector<16xi32>
    %gather3A_473 = tpu.vector_load_idx %arg19[%add3A_436, %broadcast_in_dim3A_472] : memref<128x16xf32, #tpu.memory_space<vmem>>[vector<16xi32>, vector<16xi32>], vector<16xf32>,
    %add3A_474 = arith.addf %add3A_470, %gather3A_473 : vector<16xf32>
    %broadcast_in_dim3A_475 = arith.constant 9 : i32
    %broadcast_in_dim3A_476 = vector.broadcast %broadcast_in_dim3A_475 : i32 to vector<16xi32>
    %gather3A_477 = tpu.vector_load_idx %arg19[%add3A_436, %broadcast_in_dim3A_476] : memref<128x16xf32, #tpu.memory_space<vmem>>[vector<16xi32>, vector<16xi32>], vector<16xf32>,
    %add3A_478 = arith.addf %add3A_474, %gather3A_477 : vector<16xf32>
    %broadcast_in_dim3A_479 = arith.constant 10 : i32
    %broadcast_in_dim3A_480 = vector.broadcast %broadcast_in_dim3A_479 : i32 to vector<16xi32>
    %gather3A_481 = tpu.vector_load_idx %arg19[%add3A_436, %broadcast_in_dim3A_480] : memref<128x16xf32, #tpu.memory_space<vmem>>[vector<16xi32>, vector<16xi32>], vector<16xf32>,
    %add3A_482 = arith.addf %add3A_478, %gather3A_481 : vector<16xf32>
    %broadcast_in_dim3A_483 = arith.constant 11 : i32
    %broadcast_in_dim3A_484 = vector.broadcast %broadcast_in_dim3A_483 : i32 to vector<16xi32>
    %gather3A_485 = tpu.vector_load_idx %arg19[%add3A_436, %broadcast_in_dim3A_484] : memref<128x16xf32, #tpu.memory_space<vmem>>[vector<16xi32>, vector<16xi32>], vector<16xf32>,
    %add3A_486 = arith.addf %add3A_482, %gather3A_485 : vector<16xf32>
    %broadcast_in_dim3A_487 = arith.constant 12 : i32
    %broadcast_in_dim3A_488 = vector.broadcast %broadcast_in_dim3A_487 : i32 to vector<16xi32>
    %gather3A_489 = tpu.vector_load_idx %arg19[%add3A_436, %broadcast_in_dim3A_488] : memref<128x16xf32, #tpu.memory_space<vmem>>[vector<16xi32>, vector<16xi32>], vector<16xf32>,
    %add3A_490 = arith.addf %add3A_486, %gather3A_489 : vector<16xf32>
    %broadcast_in_dim3A_491 = arith.constant 13 : i32
    %broadcast_in_dim3A_492 = vector.broadcast %broadcast_in_dim3A_491 : i32 to vector<16xi32>
    %gather3A_493 = tpu.vector_load_idx %arg19[%add3A_436, %broadcast_in_dim3A_492] : memref<128x16xf32, #tpu.memory_space<vmem>>[vector<16xi32>, vector<16xi32>], vector<16xf32>,
    %add3A_494 = arith.addf %add3A_490, %gather3A_493 : vector<16xf32>
    %broadcast_in_dim3A_495 = arith.constant 14 : i32
    %broadcast_in_dim3A_496 = vector.broadcast %broadcast_in_dim3A_495 : i32 to vector<16xi32>
    %gather3A_497 = tpu.vector_load_idx %arg19[%add3A_436, %broadcast_in_dim3A_496] : memref<128x16xf32, #tpu.memory_space<vmem>>[vector<16xi32>, vector<16xi32>], vector<16xf32>,
    %add3A_498 = arith.addf %add3A_494, %gather3A_497 : vector<16xf32>
    %broadcast_in_dim3A_499 = arith.constant 15 : i32
    %broadcast_in_dim3A_500 = vector.broadcast %broadcast_in_dim3A_499 : i32 to vector<16xi32>
    %gather3A_501 = tpu.vector_load_idx %arg19[%add3A_436, %broadcast_in_dim3A_500] : memref<128x16xf32, #tpu.memory_space<vmem>>[vector<16xi32>, vector<16xi32>], vector<16xf32>,
    %add3A_502 = arith.addf %add3A_498, %gather3A_501 : vector<16xf32>
    %add3A_503 = arith.addf %add3A_502, %get3A_28 : vector<16xf32>
    %neg3A_504 = arith.constant 0.000000e+00 : f32
    %neg3A_505 = vector.broadcast %neg3A_504 : f32 to vector<16xf32>
    %neg3A_506 = arith.subf %neg3A_505, %add3A_503 : vector<16xf32>
    %exp3A_507 = math.exp %neg3A_506 : vector<16xf32>
    %add3A_508 = arith.constant 1.000000e+00 : f32
    %add3A_509 = vector.broadcast %add3A_508 : f32 to vector<16xf32>
    %add3A_510 = arith.addf %add3A_509, %exp3A_507 : vector<16xf32>
    %div3A_511 = arith.constant 1.000000e+00 : f32
    %div3A_512 = vector.broadcast %div3A_511 : f32 to vector<16xf32>
    %div3A_513 = arith.divf %div3A_512, %add3A_510 : vector<16xf32>
    %swap3A_514 = arith.constant 80 : index
    %swap3A_515 = tpu.vector_load %arg20[%swap3A_514] {strides = array<i32>} : memref<128xf32, #tpu.memory_space<vmem>>, vector<16xf32>,
    tpu.vector_store %arg20[%swap3A_514], %div3A_513 {strides = array<i32>} : memref<128xf32, #tpu.memory_space<vmem>>, vector<16xf32>,
    %add3A_516 = arith.constant 96 : i32
    %add3A_517 = vector.broadcast %add3A_516 : i32 to vector<16xi32>
    %add3A_518 = arith.addi %add3A_517, %iota3A : vector<16xi32>
    %broadcast_in_dim3A_519 = arith.constant 0.000000e+00 : f32
    %broadcast_in_dim3A_520 = vector.broadcast %broadcast_in_dim3A_519 : f32 to vector<16xf32>
    %broadcast_in_dim3A_521 = arith.constant 0 : i32
    %broadcast_in_dim3A_522 = vector.broadcast %broadcast_in_dim3A_521 : i32 to vector<16xi32>
    %gather3A_523 = tpu.vector_load_idx %arg19[%add3A_518, %broadcast_in_dim3A_522] : memref<128x16xf32, #tpu.memory_space<vmem>>[vector<16xi32>, vector<16xi32>], vector<16xf32>,
    %add3A_524 = arith.addf %broadcast_in_dim3A_520, %gather3A_523 : vector<16xf32>
    %broadcast_in_dim3A_525 = arith.constant 1 : i32
    %broadcast_in_dim3A_526 = vector.broadcast %broadcast_in_dim3A_525 : i32 to vector<16xi32>
    %gather3A_527 = tpu.vector_load_idx %arg19[%add3A_518, %broadcast_in_dim3A_526] : memref<128x16xf32, #tpu.memory_space<vmem>>[vector<16xi32>, vector<16xi32>], vector<16xf32>,
    %add3A_528 = arith.addf %add3A_524, %gather3A_527 : vector<16xf32>
    %broadcast_in_dim3A_529 = arith.constant 2 : i32
    %broadcast_in_dim3A_530 = vector.broadcast %broadcast_in_dim3A_529 : i32 to vector<16xi32>
    %gather3A_531 = tpu.vector_load_idx %arg19[%add3A_518, %broadcast_in_dim3A_530] : memref<128x16xf32, #tpu.memory_space<vmem>>[vector<16xi32>, vector<16xi32>], vector<16xf32>,
    %add3A_532 = arith.addf %add3A_528, %gather3A_531 : vector<16xf32>
    %broadcast_in_dim3A_533 = arith.constant 3 : i32
    %broadcast_in_dim3A_534 = vector.broadcast %broadcast_in_dim3A_533 : i32 to vector<16xi32>
    %gather3A_535 = tpu.vector_load_idx %arg19[%add3A_518, %broadcast_in_dim3A_534] : memref<128x16xf32, #tpu.memory_space<vmem>>[vector<16xi32>, vector<16xi32>], vector<16xf32>,
    %add3A_536 = arith.addf %add3A_532, %gather3A_535 : vector<16xf32>
    %broadcast_in_dim3A_537 = arith.constant 4 : i32
    %broadcast_in_dim3A_538 = vector.broadcast %broadcast_in_dim3A_537 : i32 to vector<16xi32>
    %gather3A_539 = tpu.vector_load_idx %arg19[%add3A_518, %broadcast_in_dim3A_538] : memref<128x16xf32, #tpu.memory_space<vmem>>[vector<16xi32>, vector<16xi32>], vector<16xf32>,
    %add3A_540 = arith.addf %add3A_536, %gather3A_539 : vector<16xf32>
    %broadcast_in_dim3A_541 = arith.constant 5 : i32
    %broadcast_in_dim3A_542 = vector.broadcast %broadcast_in_dim3A_541 : i32 to vector<16xi32>
    %gather3A_543 = tpu.vector_load_idx %arg19[%add3A_518, %broadcast_in_dim3A_542] : memref<128x16xf32, #tpu.memory_space<vmem>>[vector<16xi32>, vector<16xi32>], vector<16xf32>,
    %add3A_544 = arith.addf %add3A_540, %gather3A_543 : vector<16xf32>
    %broadcast_in_dim3A_545 = arith.constant 6 : i32
    %broadcast_in_dim3A_546 = vector.broadcast %broadcast_in_dim3A_545 : i32 to vector<16xi32>
    %gather3A_547 = tpu.vector_load_idx %arg19[%add3A_518, %broadcast_in_dim3A_546] : memref<128x16xf32, #tpu.memory_space<vmem>>[vector<16xi32>, vector<16xi32>], vector<16xf32>,
    %add3A_548 = arith.addf %add3A_544, %gather3A_547 : vector<16xf32>
    %broadcast_in_dim3A_549 = arith.constant 7 : i32
    %broadcast_in_dim3A_550 = vector.broadcast %broadcast_in_dim3A_549 : i32 to vector<16xi32>
    %gather3A_551 = tpu.vector_load_idx %arg19[%add3A_518, %broadcast_in_dim3A_550] : memref<128x16xf32, #tpu.memory_space<vmem>>[vector<16xi32>, vector<16xi32>], vector<16xf32>,
    %add3A_552 = arith.addf %add3A_548, %gather3A_551 : vector<16xf32>
    %broadcast_in_dim3A_553 = arith.constant 8 : i32
    %broadcast_in_dim3A_554 = vector.broadcast %broadcast_in_dim3A_553 : i32 to vector<16xi32>
    %gather3A_555 = tpu.vector_load_idx %arg19[%add3A_518, %broadcast_in_dim3A_554] : memref<128x16xf32, #tpu.memory_space<vmem>>[vector<16xi32>, vector<16xi32>], vector<16xf32>,
    %add3A_556 = arith.addf %add3A_552, %gather3A_555 : vector<16xf32>
    %broadcast_in_dim3A_557 = arith.constant 9 : i32
    %broadcast_in_dim3A_558 = vector.broadcast %broadcast_in_dim3A_557 : i32 to vector<16xi32>
    %gather3A_559 = tpu.vector_load_idx %arg19[%add3A_518, %broadcast_in_dim3A_558] : memref<128x16xf32, #tpu.memory_space<vmem>>[vector<16xi32>, vector<16xi32>], vector<16xf32>,
    %add3A_560 = arith.addf %add3A_556, %gather3A_559 : vector<16xf32>
    %broadcast_in_dim3A_561 = arith.constant 10 : i32
    %broadcast_in_dim3A_562 = vector.broadcast %broadcast_in_dim3A_561 : i32 to vector<16xi32>
    %gather3A_563 = tpu.vector_load_idx %arg19[%add3A_518, %broadcast_in_dim3A_562] : memref<128x16xf32, #tpu.memory_space<vmem>>[vector<16xi32>, vector<16xi32>], vector<16xf32>,
    %add3A_564 = arith.addf %add3A_560, %gather3A_563 : vector<16xf32>
    %broadcast_in_dim3A_565 = arith.constant 11 : i32
    %broadcast_in_dim3A_566 = vector.broadcast %broadcast_in_dim3A_565 : i32 to vector<16xi32>
    %gather3A_567 = tpu.vector_load_idx %arg19[%add3A_518, %broadcast_in_dim3A_566] : memref<128x16xf32, #tpu.memory_space<vmem>>[vector<16xi32>, vector<16xi32>], vector<16xf32>,
    %add3A_568 = arith.addf %add3A_564, %gather3A_567 : vector<16xf32>
    %broadcast_in_dim3A_569 = arith.constant 12 : i32
    %broadcast_in_dim3A_570 = vector.broadcast %broadcast_in_dim3A_569 : i32 to vector<16xi32>
    %gather3A_571 = tpu.vector_load_idx %arg19[%add3A_518, %broadcast_in_dim3A_570] : memref<128x16xf32, #tpu.memory_space<vmem>>[vector<16xi32>, vector<16xi32>], vector<16xf32>,
    %add3A_572 = arith.addf %add3A_568, %gather3A_571 : vector<16xf32>
    %broadcast_in_dim3A_573 = arith.constant 13 : i32
    %broadcast_in_dim3A_574 = vector.broadcast %broadcast_in_dim3A_573 : i32 to vector<16xi32>
    %gather3A_575 = tpu.vector_load_idx %arg19[%add3A_518, %broadcast_in_dim3A_574] : memref<128x16xf32, #tpu.memory_space<vmem>>[vector<16xi32>, vector<16xi32>], vector<16xf32>,
    %add3A_576 = arith.addf %add3A_572, %gather3A_575 : vector<16xf32>
    %broadcast_in_dim3A_577 = arith.constant 14 : i32
    %broadcast_in_dim3A_578 = vector.broadcast %broadcast_in_dim3A_577 : i32 to vector<16xi32>
    %gather3A_579 = tpu.vector_load_idx %arg19[%add3A_518, %broadcast_in_dim3A_578] : memref<128x16xf32, #tpu.memory_space<vmem>>[vector<16xi32>, vector<16xi32>], vector<16xf32>,
    %add3A_580 = arith.addf %add3A_576, %gather3A_579 : vector<16xf32>
    %broadcast_in_dim3A_581 = arith.constant 15 : i32
    %broadcast_in_dim3A_582 = vector.broadcast %broadcast_in_dim3A_581 : i32 to vector<16xi32>
    %gather3A_583 = tpu.vector_load_idx %arg19[%add3A_518, %broadcast_in_dim3A_582] : memref<128x16xf32, #tpu.memory_space<vmem>>[vector<16xi32>, vector<16xi32>], vector<16xf32>,
    %add3A_584 = arith.addf %add3A_580, %gather3A_583 : vector<16xf32>
    %add3A_585 = arith.addf %add3A_584, %get3A_28 : vector<16xf32>
    %neg3A_586 = arith.constant 0.000000e+00 : f32
    %neg3A_587 = vector.broadcast %neg3A_586 : f32 to vector<16xf32>
    %neg3A_588 = arith.subf %neg3A_587, %add3A_585 : vector<16xf32>
    %exp3A_589 = math.exp %neg3A_588 : vector<16xf32>
    %add3A_590 = arith.constant 1.000000e+00 : f32
    %add3A_591 = vector.broadcast %add3A_590 : f32 to vector<16xf32>
    %add3A_592 = arith.addf %add3A_591, %exp3A_589 : vector<16xf32>
    %div3A_593 = arith.constant 1.000000e+00 : f32
    %div3A_594 = vector.broadcast %div3A_593 : f32 to vector<16xf32>
    %div3A_595 = arith.divf %div3A_594, %add3A_592 : vector<16xf32>
    %swap3A_596 = arith.constant 96 : index
    %swap3A_597 = tpu.vector_load %arg20[%swap3A_596] {strides = array<i32>} : memref<128xf32, #tpu.memory_space<vmem>>, vector<16xf32>,
    tpu.vector_store %arg20[%swap3A_596], %div3A_595 {strides = array<i32>} : memref<128xf32, #tpu.memory_space<vmem>>, vector<16xf32>,
    %add3A_598 = arith.constant 112 : i32
    %add3A_599 = vector.broadcast %add3A_598 : i32 to vector<16xi32>
    %add3A_600 = arith.addi %add3A_599, %iota3A : vector<16xi32>
    %broadcast_in_dim3A_601 = arith.constant 0.000000e+00 : f32
    %broadcast_in_dim3A_602 = vector.broadcast %broadcast_in_dim3A_601 : f32 to vector<16xf32>
    %broadcast_in_dim3A_603 = arith.constant 0 : i32
    %broadcast_in_dim3A_604 = vector.broadcast %broadcast_in_dim3A_603 : i32 to vector<16xi32>
    %gather3A_605 = tpu.vector_load_idx %arg19[%add3A_600, %broadcast_in_dim3A_604] : memref<128x16xf32, #tpu.memory_space<vmem>>[vector<16xi32>, vector<16xi32>], vector<16xf32>,
    %add3A_606 = arith.addf %broadcast_in_dim3A_602, %gather3A_605 : vector<16xf32>
    %broadcast_in_dim3A_607 = arith.constant 1 : i32
    %broadcast_in_dim3A_608 = vector.broadcast %broadcast_in_dim3A_607 : i32 to vector<16xi32>
    %gather3A_609 = tpu.vector_load_idx %arg19[%add3A_600, %broadcast_in_dim3A_608] : memref<128x16xf32, #tpu.memory_space<vmem>>[vector<16xi32>, vector<16xi32>], vector<16xf32>,
    %add3A_610 = arith.addf %add3A_606, %gather3A_609 : vector<16xf32>
    %broadcast_in_dim3A_611 = arith.constant 2 : i32
    %broadcast_in_dim3A_612 = vector.broadcast %broadcast_in_dim3A_611 : i32 to vector<16xi32>
    %gather3A_613 = tpu.vector_load_idx %arg19[%add3A_600, %broadcast_in_dim3A_612] : memref<128x16xf32, #tpu.memory_space<vmem>>[vector<16xi32>, vector<16xi32>], vector<16xf32>,
    %add3A_614 = arith.addf %add3A_610, %gather3A_613 : vector<16xf32>
    %broadcast_in_dim3A_615 = arith.constant 3 : i32
    %broadcast_in_dim3A_616 = vector.broadcast %broadcast_in_dim3A_615 : i32 to vector<16xi32>
    %gather3A_617 = tpu.vector_load_idx %arg19[%add3A_600, %broadcast_in_dim3A_616] : memref<128x16xf32, #tpu.memory_space<vmem>>[vector<16xi32>, vector<16xi32>], vector<16xf32>,
    %add3A_618 = arith.addf %add3A_614, %gather3A_617 : vector<16xf32>
    %broadcast_in_dim3A_619 = arith.constant 4 : i32
    %broadcast_in_dim3A_620 = vector.broadcast %broadcast_in_dim3A_619 : i32 to vector<16xi32>
    %gather3A_621 = tpu.vector_load_idx %arg19[%add3A_600, %broadcast_in_dim3A_620] : memref<128x16xf32, #tpu.memory_space<vmem>>[vector<16xi32>, vector<16xi32>], vector<16xf32>,
    %add3A_622 = arith.addf %add3A_618, %gather3A_621 : vector<16xf32>
    %broadcast_in_dim3A_623 = arith.constant 5 : i32
    %broadcast_in_dim3A_624 = vector.broadcast %broadcast_in_dim3A_623 : i32 to vector<16xi32>
    %gather3A_625 = tpu.vector_load_idx %arg19[%add3A_600, %broadcast_in_dim3A_624] : memref<128x16xf32, #tpu.memory_space<vmem>>[vector<16xi32>, vector<16xi32>], vector<16xf32>,
    %add3A_626 = arith.addf %add3A_622, %gather3A_625 : vector<16xf32>
    %broadcast_in_dim3A_627 = arith.constant 6 : i32
    %broadcast_in_dim3A_628 = vector.broadcast %broadcast_in_dim3A_627 : i32 to vector<16xi32>
    %gather3A_629 = tpu.vector_load_idx %arg19[%add3A_600, %broadcast_in_dim3A_628] : memref<128x16xf32, #tpu.memory_space<vmem>>[vector<16xi32>, vector<16xi32>], vector<16xf32>,
    %add3A_630 = arith.addf %add3A_626, %gather3A_629 : vector<16xf32>
    %broadcast_in_dim3A_631 = arith.constant 7 : i32
    %broadcast_in_dim3A_632 = vector.broadcast %broadcast_in_dim3A_631 : i32 to vector<16xi32>
    %gather3A_633 = tpu.vector_load_idx %arg19[%add3A_600, %broadcast_in_dim3A_632] : memref<128x16xf32, #tpu.memory_space<vmem>>[vector<16xi32>, vector<16xi32>], vector<16xf32>,
    %add3A_634 = arith.addf %add3A_630, %gather3A_633 : vector<16xf32>
    %broadcast_in_dim3A_635 = arith.constant 8 : i32
    %broadcast_in_dim3A_636 = vector.broadcast %broadcast_in_dim3A_635 : i32 to vector<16xi32>
    %gather3A_637 = tpu.vector_load_idx %arg19[%add3A_600, %broadcast_in_dim3A_636] : memref<128x16xf32, #tpu.memory_space<vmem>>[vector<16xi32>, vector<16xi32>], vector<16xf32>,
    %add3A_638 = arith.addf %add3A_634, %gather3A_637 : vector<16xf32>
    %broadcast_in_dim3A_639 = arith.constant 9 : i32
    %broadcast_in_dim3A_640 = vector.broadcast %broadcast_in_dim3A_639 : i32 to vector<16xi32>
    %gather3A_641 = tpu.vector_load_idx %arg19[%add3A_600, %broadcast_in_dim3A_640] : memref<128x16xf32, #tpu.memory_space<vmem>>[vector<16xi32>, vector<16xi32>], vector<16xf32>,
    %add3A_642 = arith.addf %add3A_638, %gather3A_641 : vector<16xf32>
    %broadcast_in_dim3A_643 = arith.constant 10 : i32
    %broadcast_in_dim3A_644 = vector.broadcast %broadcast_in_dim3A_643 : i32 to vector<16xi32>
    %gather3A_645 = tpu.vector_load_idx %arg19[%add3A_600, %broadcast_in_dim3A_644] : memref<128x16xf32, #tpu.memory_space<vmem>>[vector<16xi32>, vector<16xi32>], vector<16xf32>,
    %add3A_646 = arith.addf %add3A_642, %gather3A_645 : vector<16xf32>
    %broadcast_in_dim3A_647 = arith.constant 11 : i32
    %broadcast_in_dim3A_648 = vector.broadcast %broadcast_in_dim3A_647 : i32 to vector<16xi32>
    %gather3A_649 = tpu.vector_load_idx %arg19[%add3A_600, %broadcast_in_dim3A_648] : memref<128x16xf32, #tpu.memory_space<vmem>>[vector<16xi32>, vector<16xi32>], vector<16xf32>,
    %add3A_650 = arith.addf %add3A_646, %gather3A_649 : vector<16xf32>
    %broadcast_in_dim3A_651 = arith.constant 12 : i32
    %broadcast_in_dim3A_652 = vector.broadcast %broadcast_in_dim3A_651 : i32 to vector<16xi32>
    %gather3A_653 = tpu.vector_load_idx %arg19[%add3A_600, %broadcast_in_dim3A_652] : memref<128x16xf32, #tpu.memory_space<vmem>>[vector<16xi32>, vector<16xi32>], vector<16xf32>,
    %add3A_654 = arith.addf %add3A_650, %gather3A_653 : vector<16xf32>
    %broadcast_in_dim3A_655 = arith.constant 13 : i32
    %broadcast_in_dim3A_656 = vector.broadcast %broadcast_in_dim3A_655 : i32 to vector<16xi32>
    %gather3A_657 = tpu.vector_load_idx %arg19[%add3A_600, %broadcast_in_dim3A_656] : memref<128x16xf32, #tpu.memory_space<vmem>>[vector<16xi32>, vector<16xi32>], vector<16xf32>,
    %add3A_658 = arith.addf %add3A_654, %gather3A_657 : vector<16xf32>
    %broadcast_in_dim3A_659 = arith.constant 14 : i32
    %broadcast_in_dim3A_660 = vector.broadcast %broadcast_in_dim3A_659 : i32 to vector<16xi32>
    %gather3A_661 = tpu.vector_load_idx %arg19[%add3A_600, %broadcast_in_dim3A_660] : memref<128x16xf32, #tpu.memory_space<vmem>>[vector<16xi32>, vector<16xi32>], vector<16xf32>,
    %add3A_662 = arith.addf %add3A_658, %gather3A_661 : vector<16xf32>
    %broadcast_in_dim3A_663 = arith.constant 15 : i32
    %broadcast_in_dim3A_664 = vector.broadcast %broadcast_in_dim3A_663 : i32 to vector<16xi32>
    %gather3A_665 = tpu.vector_load_idx %arg19[%add3A_600, %broadcast_in_dim3A_664] : memref<128x16xf32, #tpu.memory_space<vmem>>[vector<16xi32>, vector<16xi32>], vector<16xf32>,
    %add3A_666 = arith.addf %add3A_662, %gather3A_665 : vector<16xf32>
    %add3A_667 = arith.addf %add3A_666, %get3A_28 : vector<16xf32>
    %neg3A_668 = arith.constant 0.000000e+00 : f32
    %neg3A_669 = vector.broadcast %neg3A_668 : f32 to vector<16xf32>
    %neg3A_670 = arith.subf %neg3A_669, %add3A_667 : vector<16xf32>
    %exp3A_671 = math.exp %neg3A_670 : vector<16xf32>
    %add3A_672 = arith.constant 1.000000e+00 : f32
    %add3A_673 = vector.broadcast %add3A_672 : f32 to vector<16xf32>
    %add3A_674 = arith.addf %add3A_673, %exp3A_671 : vector<16xf32>
    %div3A_675 = arith.constant 1.000000e+00 : f32
    %div3A_676 = vector.broadcast %div3A_675 : f32 to vector<16xf32>
    %div3A_677 = arith.divf %div3A_676, %add3A_674 : vector<16xf32>
    %swap3A_678 = arith.constant 112 : index
    %swap3A_679 = tpu.vector_load %arg20[%swap3A_678] {strides = array<i32>} : memref<128xf32, #tpu.memory_space<vmem>>, vector<16xf32>,
    tpu.vector_store %arg20[%swap3A_678], %div3A_677 {strides = array<i32>} : memref<128xf32, #tpu.memory_space<vmem>>, vector<16xf32>,
    %mul3A_680 = arith.constant 128 : i32
    %mul3A_681 = arith.muli %add3A, %mul3A_680 : i32
    "tpu.region"() ({
      %run_scoped3A = tpu.sem_alloc : memref<!tpu.dma_semaphore, #tpu.memory_space<semaphore_mem>>
      %dma_start3A_682 = tpu.memref_slice %arg9[%mul3A_681] : memref<4096xf32, #tpu.memory_space<hbm>> -> memref<128xf32, #tpu.memory_space<hbm>>
      %dma_start3A_683 = tpu.memref_slice %arg9[%mul3A_681] : memref<4096xf32, #tpu.memory_space<hbm>> -> memref<128xf32, #tpu.memory_space<hbm>>
      tpu.enqueue_dma source(%arg20 : memref<128xf32, #tpu.memory_space<vmem>>) target(%dma_start3A_683 : memref<128xf32, #tpu.memory_space<hbm>>) target_semaphore(%run_scoped3A : memref<!tpu.dma_semaphore, #tpu.memory_space<semaphore_mem>>)
      %dma_wait3A = tpu.memref_slice %arg9[%mul3A_681] : memref<4096xf32, #tpu.memory_space<hbm>> -> memref<128xf32, #tpu.memory_space<hbm>>
      %dma_wait3A_684 = tpu.memref_slice %arg9[%mul3A_681] : memref<4096xf32, #tpu.memory_space<hbm>> -> memref<128xf32, #tpu.memory_space<hbm>>
      tpu.wait_dma2 semaphore(%run_scoped3A : memref<!tpu.dma_semaphore, #tpu.memory_space<semaphore_mem>>) src(%arg20 : memref<128xf32, #tpu.memory_space<vmem>>) dst(%dma_wait3A_684 : memref<128xf32, #tpu.memory_space<hbm>>)
      tpu.yield
    }) : () -> ()
    return
  }
}

</mosaic_0001>

<sc_bundles>
// kernel: kernel.3.cloned.1.call-start
scs
__scs_entry_jumppad:
0x0: {  	(pc) =	sbr.rel $0x88, $3  }
0x1: {  	(tag) =	ssettag $0x0;
	lr =	simm.s32 $0x1  }
0x2: {  	[smem:$0x3F9D] =	sst lr;
	_ =	strace $0xD0000000  }
0x3: {  	_ = 	snop  }
0x4: {  	_ = 	snop  }
0x5: {  	_ = 	snop  }
0x6: {  	_ = 	snop  }
0x7: {  	_ = 	snop  }
__scs_overlays_trampoline_lowered:
0x8: {  	[smem:$0x3FAC] =	sst s0  }
0x9: {  	[smem:$0x3FAD] =	sst s1  }
0xa: {  	[smem:$0x3FAE] =	sst s2  }
0xb: {  	[smem:$0x3FAF] =	sst s3  }
0xc: {  	[smem:$0x3FB0] =	sst s4  }
0xd: {  	[smem:$0x3FB1] =	sst s5  }
0xe: {  	[smem:$0x3FB2] =	sst s6  }
0xf: {  	[smem:$0x3FB3] =	sst s7  }
0x10: {  	[smem:$0x3FB4] =	sst s8  }
0x11: {  	[smem:$0x3FB5] =	sst s9;
	s0 =	simm.s32 @!p0 $0x0  }
0x12: {  	s1 =	sld [smem:$0x3F9B];
	s0 =	simm.s32 @p0 $0x1  }
0x13: {  	[smem:$0x3FB6] =	sst s0;
	s0 =	simm.s32 @!p1 $0x0  }
0x14: {  	s2 =	sld [smem:$0x3F9A];
	s0 =	simm.s32 @p1 $0x1  }
0x15: {  	[smem:$0x3FB7] =	sst s0;
	s0 =	simm.s32 @!p2 $0x0  }
0x16: {  	s3 =	sld [smem:$0x3FDB];
	s0 =	simm.s32 @p2 $0x1  }
0x17: {  	s4 =	simm.s32 $0x1BF5;
	[smem:$0x3FB9] =	sst s0  }
0x18: {  	s0 =	sld [smem:$0x3F9C];
	_ =	swait.ge [sflag:s4], $0x0  }
0x19: {  	s7 =	sld [smem:$0x3F9D]  }
0x1a: {  	s8 =	sadd.s32 $0xFFFFE003, lr  }
0x1b: {  	s9 =	sadd.s32 $0xFFFFFEF7, lr;
	s5 =	simm.s32 $0xFFFFFFFF;
	p2 =	slt.u32 s8, $0xFFFFF086  }
0x1c: {  	p1 =	slt.u32 s9, $0xF7A;
	s5 =	simm.s32 @!p2 $0x0  }
0x1d: {  	s5 =	simm.s32 @p1 $0x1;
	p0 =	seq.s32 s7, s2  }
0x1e: {  	s7 =	smul.u32 @!p0 $0xF7A, s2;
	p2 =	seq.s32 @!p0 s5, $0x0  }
0x1f: {  	s9 =	smul.u32 $0xF7A, s1;
	s8 =	simm.s32 @!p0 $0x1BF5;
	p2 =	por !p2, p0  }
0x20: {  	[sflag:s8] =	ssyncset.s32 @!p0 $0xFFFFF086;
	s6 =	sadd.s32 @!p0 s3, s7;
	s7 =	simm.s32 @!p0 $0x108  }
0x21: {  	s3 =	sadd.s32 s3, s9;
	s6 =	sadd.s32 @!p0 $0x88, s6;
	s7 =	simm.s32 @p2 $0x1082  }
0x22: {  	[simem:s7], [sflag:s8] =	dma.local @!p0 [hbm:s6], $0xF7A  }
0x23: {  	s9 =	sor.u32 $0xD0000000, s2;
	s6 =	simm.s32 $0x108;
	_ =	swait.ge @!p0 [sflag:s8], $0x0  }
0x24: {  	s3 =	sadd.s32 $0x88, s3;
	s6 =	simm.s32 @!p1 $0x1082;
	[sflag:s4] =	ssyncset.s32 $0xFFFFF086  }
0x25: {  	[simem:s6], [sflag:s4] =	dma.local [hbm:s3], $0xF7A  }
0x26: {  	[smem:$0x3F9D] =	sst s1;
	(tag) =	ssettag s2;
	_ =	strace s9  }
0x27: {  	s1 =	sld [smem:$0x3FAD]  }
0x28: {  	s2 =	sld [smem:$0x3FAE]  }
0x29: {  	s4 =	sld [smem:$0x3FB0]  }
0x2a: {  	p0 =	seq.s32 s5, $0x0;
	s5 =	sld [smem:$0x3FB1]  }
0x2b: {  	s6 =	sld [smem:$0x3FB2]  }
0x2c: {  	s7 =	sld [smem:$0x3FB3]  }
0x2d: {  	s3 =	simm.s32 $0x108;
	s8 =	sld [smem:$0x3FB4]  }
0x2e: {  	s3 =	simm.s32 @!p0 $0x1082;
	s9 =	sld [smem:$0x3FB5]  }
0x2f: {  	lr =	sadd.s32 s0, s3;
	s0 =	sld [smem:$0x3FAC]  }
0x30: {  	s3 =	sld [smem:$0x3FAF]  }
0x31: {  	[smem:$0x3FB8] =	sst s10  }
0x32: {  	s10 =	sld [smem:$0x3FB6];
	_ =	sdelay $0x3  }
0x33: {  	p0 =	seq.s32 s10, $0x1;
	s10 =	sld [smem:$0x3FB8];
	_ =	sdelay $0x3  }
0x34: {  	[smem:$0x3FB8] =	sst s10  }
0x35: {  	s10 =	sld [smem:$0x3FB7];
	_ =	sdelay $0x3  }
0x36: {  	p1 =	seq.s32 s10, $0x1;
	s10 =	sld [smem:$0x3FB8];
	_ =	sdelay $0x3  }
0x37: {  	[smem:$0x3FB8] =	sst s10  }
0x38: {  	s10 =	sld [smem:$0x3FB9]  }
0x39: {  	_ = 	snop;
	(pc) =	sbr.ind lr, $3  }
0x3a: {  	_ = 	snop  }
0x3b: {  	_ = 	snop  }
0x3c: {  	p2 =	seq.s32 s10, $0x1;
	s10 =	sld [smem:$0x3FB8]  }
0x3d: {  	_ =	shalt  }
0x3e: {  	_ =	shalt  }
0x3f: {  	_ =	shalt  }
0x40: {  	_ =	shalt  }
0x41: {  	_ =	shalt  }
0x42: {  	_ =	shalt  }
0x43: {  	_ =	shalt  }
0x44: {  	_ =	shalt  }
0x45: {  	_ =	shalt  }
0x46: {  	_ =	shalt  }
0x47: {  	_ =	shalt  }
0x48: {  	_ =	shalt  }
0x49: {  	_ =	shalt  }
0x4a: {  	_ =	shalt  }
0x4b: {  	_ =	shalt  }
0x4c: {  	_ =	shalt  }
0x4d: {  	_ =	shalt  }
0x4e: {  	_ =	shalt  }
0x4f: {  	_ =	shalt  }
0x50: {  	_ =	shalt  }
0x51: {  	_ =	shalt  }
0x52: {  	_ =	shalt  }
0x53: {  	_ =	shalt  }
0x54: {  	_ =	shalt  }
0x55: {  	_ =	shalt  }
0x56: {  	_ =	shalt  }
0x57: {  	_ =	shalt  }
0x58: {  	_ =	shalt  }
0x59: {  	_ =	shalt  }
0x5a: {  	_ =	shalt  }
0x5b: {  	_ =	shalt  }
0x5c: {  	_ =	shalt  }
0x5d: {  	_ =	shalt  }
0x5e: {  	_ =	shalt  }
0x5f: {  	_ =	shalt  }
0x60: {  	_ =	shalt  }
0x61: {  	_ =	shalt  }
0x62: {  	_ =	shalt  }
0x63: {  	_ =	shalt  }
0x64: {  	_ =	shalt  }
0x65: {  	_ =	shalt  }
0x66: {  	_ =	shalt  }
0x67: {  	_ =	shalt  }
0x68: {  	_ =	shalt  }
0x69: {  	_ =	shalt  }
0x6a: {  	_ =	shalt  }
0x6b: {  	_ =	shalt  }
0x6c: {  	_ =	shalt  }
0x6d: {  	_ =	shalt  }
0x6e: {  	_ =	shalt  }
0x6f: {  	_ =	shalt  }
0x70: {  	_ =	shalt  }
0x71: {  	_ =	shalt  }
0x72: {  	_ =	shalt  }
0x73: {  	_ =	shalt  }
0x74: {  	_ =	shalt  }
0x75: {  	_ =	shalt  }
0x76: {  	_ =	shalt  }
0x77: {  	_ =	shalt  }
0x78: {  	_ =	shalt  }
0x79: {  	_ =	shalt  }
0x7a: {  	_ =	shalt  }
0x7b: {  	_ =	shalt  }
0x7c: {  	_ =	shalt  }
0x7d: {  	_ =	shalt  }
0x7e: {  	_ =	shalt  }
0x7f: {  	_ =	shalt  }
0x80: {  	_ =	shalt  }
0x81: {  	_ =	shalt  }
0x82: {  	_ =	shalt  }
0x83: {  	_ =	shalt  }
0x84: {  	_ =	shalt  }
0x85: {  	_ =	shalt  }
0x86: {  	_ =	shalt  }
0x87: {  	_ =	shalt  }
.Lfunc_end0:
.L_simem_size_0:
called_computation_lowered:
.L_overlay_start_0:
0x88: {  	s2 =	sld [smem:$0x3FD9]  }
0x89: {  	s3 =	sld [smem:$0x3FFE];
	_ =	sdelay $0x1  }
0x8a: {  	s1 =	srdreg.scid  }
0x8b: {  	s0 =	sand.u32 $0x1, s1  }
0x8c: {  	s17 =	sshll.u32 s0, $0xA;
	s2 =	sadd.s32 s3, s2  }
0x8d: {  	s2 =	sadd.s32 s2, s17  }
0x8e: {  	[smem:$0x3FC4] =	sst s2  }
0x8f: {  	_ = 	snop  }
0x90: {  	s2 =	sld [smem:$0x3FD0];
	(tm) =	ssettm $0x1  }
0x91: {  	s18 =	sld [smem:$0x3FFB];
	_ =	sdelay $0x3  }
0x92: {  	_ =	strace s18  }
0x93: {  	s3 =	sld [smem:$0x3FFC];
	_ =	sdelay $0x3  }
0x94: {  	_ =	strace s3  }
0x95: {  	s3 =	sld [smem:$0x3FFD];
	_ =	sdelay $0x3  }
0x96: {  	_ =	strace s3  }
0x97: {  	_ =	strace $0x8FFFFFFF  }
0x98: {  	s19 =	sld [smem:$0x3FDB];
	_ =	sdelay $0x1  }
0x99: {  	s4 =	simm.s32 $_scs_section_size  }
0x9a: {  	s5 =	simm.s32 $_size__tile_overlayer_lowered;
	s6 =	simm.s32 $_tile_overlayer_lowered  }
0x9b: {  	s22 =	simm.s32 $0x1BFF;
	s21 =	sshll.u32 s6, $0x1;
	s3 =	sadd.s32 s4, s19  }
0x9c: {  	s7 =	simm.s32 $0x0;
	s20 =	sshll.u32 s5, $0x1;
	s5 =	sadd.s32 s21, s3  }
0x9d: {  	[timem:s7], [sflag:s22] =	dma.local [hbm:s5], s20  }
0x9e: {  	_ =	swait.ge [sflag:s22], s20  }
0x9f: {  	s4 =	ssub.s32 $0x0, s20;
	[sflag:s22] =	ssyncset.done $0x0  }
0xa0: {  	[sflag:s22] =	ssyncadd.s32 s4;
	_ =	sdelay $0x1  }
0xa1: {  	s23 =	simm.s32 $0x1B8B  }
0xa2: {  	_ =	swait.ge [sflag:s23], $0x1  }
0xa3: {  	[sflag:s23] =	ssyncset.done $0x0  }
0xa4: {  	s25 =	simm.s32 $0x1B8E;
	s24 =	sld [smem:$0x3FFE];
	[sflag:s23] =	ssyncadd.s32 $0xFFFFFFFF  }
0xa5: {  	s26 =	simm.s32 $execute0_lowered;
	[smem:$0x3FD2] =	sst s25  }
0xa6: {  	s5 =	sshll.u32 s26, $0x1;
	_ =	strace $0x80000046;
	[dreg:$0x1] =	wrdreg $0xFFFFFFFF  }
0xa7: {  	s28 =	simm.s32 $_size_execute0_lowered;
	s3 =	sadd.s32 s3, s5;
	[dreg:$0x0] =	wrdreg $0x0  }
0xa8: {  	s5 =	sshll.u32 s28, $0x1;
	[dreg:$0x2] =	wrdreg s3  }
0xa9: {  	[dreg:$0x3] =	wrdreg s5  }
0xaa: {  	[dreg:$0x4] =	wrdreg $0xC0  }
0xab: {  	_ =	task [dreg:s7], $0x5FFFF  }
0xac: {  	[dreg:$0x1] =	wrdreg $0xFFFFFFFF  }
0xad: {  	[dreg:$0x0] =	wrdreg $0x60  }
0xae: {  	[dreg:$0x2] =	wrdreg s24  }
0xaf: {  	[dreg:$0x3] =	wrdreg s2  }
0xb0: {  	[dreg:$0x4] =	wrdreg $0x9  }
0xb1: {  	_ =	task.clear_ibuf [dreg:s7], $0x5FFFF;
	_ =	strace $0x90000046  }
0xb2: {  	s29 =	simm.s32 $0x9;
	_ =	strace $0x80000048  }
0xb3: {  	_ =	swait.ge [sflag:s29], $0x1  }
0xb4: {  	[sflag:s29] =	ssyncadd.s32 $0xFFFFFFFF  }
0xb5: {  	_ =	strace $0x90000048  }
0xb6: {  	_ =	sfence  }
0xb7: {  	s30 =	sld [smem:$0x0];
	_ =	sdelay $0x2  }
0xb8: {  	s31 =	sshll.u32 s1, $0xD;
	s1 =	sshrl.u32 s1, $0x2  }
0xb9: {  	s3 =	sand.u32 $0x4000, s31;
	s1 =	sadd.s32 s1, s30  }
0xba: {  	s0 =	sor.u32 s3, s0;
	s1 =	sshll.u32 s1, $0x11  }
0xbb: {  	s0 =	sor.u32 s1, s0  }
0xbc: {  	s0 =	sadd.s32 $0x8F2B, s0  }
0xbd: {  	[sflag:s0] =	ssyncadd.remote.s32 $0x1  }
0xbe: {  	_ =	sfence.sel $0xFFFF  }
0xbf: {  	[dreg:$0x0] =	wrdreg $0xFFFFFFFF;
	(pc) =	sbr.abs _section_cstart, $3  }
0xc0: {  	[dreg:$0x1] =	wrdreg $0xFFFFFFFF  }
0xc1: {  	_ =	task.clear_ibuf [dreg:s7], $0x2FFFF;
	_ =	strace $0x9FFFFFFF  }
0xc2: {  	(tm) =	ssettm $0x7FFFFFFF  }
0xc3: {  	_ =	shalt  }
tec
execute0_lowered:
.L_overlay_start_1:
0x0: {  	(tag) =	ssettag $0x1  }
0x1: {  	s0 =	srdreg.scid;
	s1 =	rddreg [dreg:$0x0];
	v0 =	vlaneseq.u32  }
0x2: {  	s2 =	stileid.u32;
	s10 =	rddreg [dreg:$0x1];
	s14 =	simm.s32 $0xC6B0;
	v0 =	vmul.u32 $0x10, v0  }
0x3: {  	s15 =	simm.s32 $0xD0E0;
	s16 =	simm.s32 $0xD160;
	s17 =	simm.s32 $0x68  }
0x4: {  	vm0 =	vmmov $0x3ff;
	vm1 =	vmmov $0xff;
	s18 =	simm.s32 $0xD00;
	s19 =	simm.s32 $0xB600;
	s20 =	simm.s32 $0x1;
	v1 =	vor.u32 $0x1, v0  }
0x5: {  	s21 =	simm.s32 $0x3;
	s22 =	simm.s32 $0x6180;
	s23 =	simm.s32 $0xB940;
	v2 =	vor.u32 $0x2, v0;
	v3 =	vor.u32 $0x3, v0;
	v4 =	vor.u32 $0x4, v0  }
0x6: {  	s24 =	simm.s32 $0x2;
	s26 =	simm.s32 $0xD170;
	s28 =	simm.s32 $0xD970;
	v5 =	vor.u32 $0x5, v0;
	v6 =	vor.u32 $0x6, v0;
	v7 =	vor.u32 $0x7, v0  }
0x7: {  	s25 =	simm.s32 $0x4;
	s5 =	sadd.s32 $0x27F800, s1;
	s6 =	sadd.s32 $0x27F400, s1;
	v8 =	vor.u32 $0x8, v0;
	v9 =	vor.u32 $0x9, v0;
	v10 =	vor.u32 $0xA, v0  }
0x8: {  	s29 =	simm.s32 $0x0;
	s0 =	sand.u32 $0x1, s0;
	s7 =	sadd.s32 $0x27F200, s1;
	v11 =	vor.u32 $0xB, v0;
	v12 =	vor.u32 $0xC, v0;
	v13 =	vor.u32 $0xD, v0  }
0x9: {  	s2 =	sshll.u32 s2, $0x1;
	s4 =	sadd.s32 $0x1000, s1;
	s8 =	sadd.s32 $0x27F600, s1;
	v14 =	vor.u32 $0xE, v0;
	v15 =	vor.u32 $0xF, v0;
	v16 =	vor.u32 $0x100, v0  }
0xa: {  	s9 =	sor.u32 s0, s2;
	s2 =	simm.s32 $0x0;
	s0 =	ssub.s32 $0x2, s0;
	v17 =	vor.u32 $0x101, v0;
	v18 =	vor.u32 $0x102, v0;
	v19 =	vor.u32 $0x103, v0  }
0xb: {  	s3 =	smul.u32 $0x1A0, s9;
	[smem:$0x7FF] =	sst s2;
	s31 =	sshrl.u32 s0, $0x1;
	v20 =	vor.u32 $0x104, v0;
	v21 =	vor.u32 $0x105, v0;
	v22 =	vor.u32 $0x106, v0  }
0xc: {  	s12 =	sshll.u32 s9, $0x4;
	v23 =	vor.u32 $0x107, v0;
	v24 =	vor.u32 $0x108, v0;
	v25 =	vor.u32 $0x109, v0;
	_ =	strace $0x80000047;
	s0 =	ssub.s32 s0, s31  }
0xd: {  	v26 =	vor.u32 $0x10A, v0;
	v27 =	vor.u32 $0x10B, v0;
	v28 =	vor.u32 $0x10C, v0;
	s10 =	sadd.s32 s10, s12;
	s12 =	simm.s32 $0x5;
	s11 =	sadd.s32 s3, s1  }
0xe: {  	v29 =	vor.u32 $0x10D, v0;
	v30 =	vor.u32 $0x10E, v0;
	v31 =	vor.u32 $0x10F, v0;
	s3 =	sadd.s32 $0x4F589000, s1;
	s9 =	sadd.s32 $0x27BE00, s11;
	s11 =	smax.u32 s0, $0x1  }
.LBB2_1:
0xf: {  	[tilespmem:s2], [sflag:$0x5] =	stream.linear.gather [hbm4b:s9+s2], $0xD00, $0x38;
	[tilespmem:$0xD9F0] =	vst v63  }
0x10: {  	_ =	swait.ge [sflag:s12], $0xD00  }
0x11: {  	[sflag:s12] =	ssyncset.done $0x0  }
0x12: {  	s0 =	simm.s32 $0xBC80;
	[sflag:s12] =	ssyncadd.s32 $0xFFFFF300  }
0x13: {  	[tilespmem:s0], [sflag:$0x5] =	stream.linear.gather [hbm4b:s6+s2], $0xA30, $0x38;
	[tilespmem:$0xD9F0] =	vst v63  }
0x14: {  	_ =	swait.ge [sflag:s12], $0xA30  }
0x15: {  	[sflag:s12] =	ssyncset.done $0x0  }
0x16: {  	[sflag:s12] =	ssyncadd.s32 $0xFFFFF5D0  }
0x17: {  	[tilespmem:s14], [sflag:$0x5] =	stream.linear.gather [hbm4b:s7+s2], $0xA30, $0x38;
	[tilespmem:$0xD9F0] =	vst v63  }
0x18: {  	_ =	swait.ge [sflag:s12], $0xA30  }
0x19: {  	[sflag:s12] =	ssyncset.done $0x0  }
0x1a: {  	[sflag:s12] =	ssyncadd.s32 $0xFFFFF5D0  }
0x1b: {  	[tilespmem:s15], [sflag:$0x5] =	stream.linear.gather [hbm4b:s8+s2], $0x80, $0x38;
	[tilespmem:$0xD9F0] =	vst v63  }
0x1c: {  	_ =	swait.ge [sflag:s12], $0x80  }
0x1d: {  	[sflag:s12] =	ssyncset.done $0x0  }
0x1e: {  	[sflag:s12] =	ssyncadd.s32 $0xFFFFFF80  }
0x1f: {  	[tilespmem:s16], [sflag:$0x5] =	stream.linear.gather [hbm4b:s5+s2], $0x10, $0x38;
	[tilespmem:$0xD9F0] =	vst v63  }
0x20: {  	_ =	swait.ge [sflag:s12], $0x10  }
0x21: {  	[sflag:s12] =	ssyncset.done $0x0  }
0x22: {  	[sflag:s12] =	ssyncadd.s32 $0xFFFFFFF0  }
0x23: {  	[tilespmem:s18], [sflag:$0x1] =	stream.indirect.gather [hbm4b:s3+s17], $0xD0, s2, s17, $0xb8;
	[tilespmem:$0xD9F0] =	vst v63  }
0x24: {  	s30 =	simm.s32 $0x0  }
0x25: {  	[tilespmem:s19], [sflag:$0x3] =	stream.indirect.gather [hbm4b:s4+s17], $0x1, s2, s17, $0xb8;
	[tilespmem:$0xD9F0] =	vst v63  }
.LBB2_2:
0x26: {  	_ =	swait.ge [sflag:s20], $0x5480  }
0x27: {  	[sflag:s20] =	ssyncset.done $0x0  }
0x28: {  	s31 =	sshllo.u32 s30, $0x1;
	[sflag:s20] =	ssyncadd.s32 $0xFFFFAB80  }
0x29: {  	s0 =	smul.u32 $0x1A0, s31;
	_ =	swait.ge [sflag:s21], $0x68  }
0x2a: {  	[sflag:s21] =	ssyncset.done $0x0  }
0x2b: {  	s0 =	sshra.s32 s0, $0x2;
	[sflag:s21] =	ssyncadd.s32 $0xFFFFFF98  }
0x2c: {  	[tilespmem:s22], [sflag:$0x2] =	stream.indirect.gather [hbm4b:s3+s17], $0xD0, s0, s17, $0xb8;
	[tilespmem:$0xD9F0] =	vst v63  }
0x2d: {  	_ = 	snop  }
0x2e: {  	[tilespmem:s23], [sflag:$0x4] =	stream.indirect.gather [hbm4b:s4+s17], $0x1, s0, s17, $0xb8;
	[tilespmem:$0xD9F0] =	vst v63  }
0x2f: {  	v32 =	vld [tilespmem:$0xD0E0]  }
0x30: {  	v33 =	vld [tilespmem:$0xD0F0]  }
0x31: {  	v34 =	vld [tilespmem:$0xD100]  }
0x32: {  	v35 =	vld [tilespmem:$0xD110]  }
0x33: {  	v36 =	vld [tilespmem:$0xD120]  }
0x34: {  	v37 =	vld [tilespmem:$0xD130]  }
0x35: {  	s13 =	simm.s32 $0x0;
	v38 =	vld [tilespmem:$0xD140]  }
0x36: {  	v39 =	vld [tilespmem:s13+$0xBC80]  }
0x37: {  	v40 =	vld [tilespmem:s13+$0xC6B0];
	v32 =	vshll.u32 v32, $0x3  }
0x38: {  	v41 =	vld [tilespmem:$0xD150];
	v33 =	vshll.u32 v33, $0x3  }
0x39: {  	s1 =	simm.s32 $0x10;
	v34 =	vshll.u32 v34, $0x3  }
0x3a: {  	v60 =	vld [tilespmem:s1+$0xBC80];
	v35 =	vshll.u32 v35, $0x3  }
0x3b: {  	v62 =	vld [tilespmem:s1+$0xC6B0];
	v36 =	vshll.u32 v36, $0x3;
	v37 =	vshll.u32 v37, $0x3;
	v42 =	vshra.s32 v39, $0x8  }
0x3c: {  	v38 =	vshll.u32 v38, $0x3;
	v43 =	vshra.s32 v40, $0x8;
	v42 =	vmul.u32 $0xD0, v42;
	v32 =	vld.idx.msk [tilespmem:v32+s19+$0x0], $0xffff  }
0x3d: {  	v56 =	vshll.u32 v41, $0x3;
	v57 =	vand.u32 $0xF8, v39;
	v43 =	vmul.u32 $0xD0, v43;
	v33 =	vld.idx.msk [tilespmem:v33+s19+$0x0], $0xffff  }
0x3e: {  	v39 =	vand.u32 $0x7, v39;
	v45 =	vand.u32 $0xF8, v40;
	v41 =	vadd.s32 v57, v42;
	v34 =	vld.idx.msk [tilespmem:v34+s19+$0x0], $0xffff  }
0x3f: {  	v58 =	vand.u32 $0x7, v40;
	v59 =	vadd.s32 v45, v43;
	v39 =	vor.u32 v39, v41;
	v44 =	vld.idx.msk [tilespmem:v35+s19+$0x0], $0xffff  }
0x40: {  	v43 =	vor.u32 v58, v59;
	v36 =	vld.idx.msk [tilespmem:v36+s19+$0x0], $0xffff;
	v61 =	vadd.s32 $0x3F60, v39  }
0x41: {  	v42 =	vld.idx.msk [tilespmem:v37+s19+$0x0], $0xffff;
	v46 =	vadd.s32 $0x3F60, v43  }
0x42: {  	v38 =	vld.idx.msk [tilespmem:v38+s19+$0x0], $0xffff;
	v47 =	vadd.s32 $0x1520, v39  }
0x43: {  	v48 =	vld.idx.msk [tilespmem:v56+s19+$0x0], $0xffff;
	v63 =	vadd.s32 $0x1520, v43  }
0x44: {  	v49 =	vadd.s32 $0x2A40, v39;
	v37 =	vld.idx.msk [tilespmem:v39+s18+$0x0], $0xffff  }
0x45: {  	v57 =	vshra.s32 v62, $0x8;
	v50 =	vld.idx.msk [tilespmem:v61+s18+$0x0], $0xffff  }
0x46: {  	v40 =	vmul.u32 $0xD0, v57;
	v56 =	vshra.s32 v60, $0x8;
	v51 =	vld.idx.msk [tilespmem:v46+s18+$0x0], $0xffff  }
0x47: {  	v45 =	vand.u32 $0x7, v62;
	v59 =	vand.u32 $0xF8, v62;
	v39 =	vmul.u32 $0xD0, v56;
	v53 =	vld.idx.msk [tilespmem:v47+s18+$0x0], $0xffff  }
0x48: {  	v58 =	vand.u32 $0xF8, v60;
	v52 =	vadd.s32 $0x2A40, v43;
	v40 =	vadd.s32 v59, v40;
	v54 =	vld.idx.msk [tilespmem:v63+s18+$0x0], $0xffff  }
0x49: {  	s13 =	simm.s32 $0x20;
	v41 =	vand.u32 $0x7, v60;
	v35 =	vld.idx.msk [tilespmem:v49+s18+$0x0], $0xffff;
	v46 =	vor.u32 v45, v40;
	v39 =	vadd.s32 v58, v39  }
0x4a: {  	v33 =	vnsel vm0, $0x0, v33;
	v55 =	vadd.s32 $0x3F60, v46;
	v39 =	vor.u32 v41, v39;
	v41 =	vld [tilespmem:s13+$0xBC80]  }
0x4b: {  	v60 =	vnsel vm0, $0x0, v44;
	v49 =	vld [tilespmem:s13+$0xC6B0];
	v61 =	vnsel vm0, $0x0, v42;
	v62 =	vnsel vm0, $0x0, v48  }
0x4c: {  	v43 =	vld.idx.msk [tilespmem:v43+s18+$0x0], $0xffff;
	v40 =	vadd.f32 v33, v32;
	v56 =	vadd.f32 v60, v34;
	v45 =	vadd.s32 $0x3F60, v39  }
0x4d: {  	s0 =	simm.s32 $0x30;
	v34 =	vld.idx.msk [tilespmem:v52+s18+$0x0], $0xffff;
	v33 =	vadd.f32 v61, v36;
	v48 =	vadd.s32 $0x1520, v46;
	v42 =	vadd.s32 $0x1520, v39  }
0x4e: {  	v32 =	vadd.f32 v62, v38;
	v47 =	vadd.s32 $0x2A40, v46;
	v63 =	vmul.f32 v51, v50;
	v51 =	vld [tilespmem:s0+$0xBC80]  }
0x4f: {  	v52 =	vadd.s32 $0x2A40, v39;
	v57 =	vmul.f32 v54, v53;
	v38 =	vld.idx.msk [tilespmem:v55+s18+$0x0], $0xffff;
	v58 =	vshra.s32 v41, $0x8  }
0x50: {  	v59 =	vshra.s32 v49, $0x8;
	v62 =	vand.u32 $0xF8, v49;
	v44 =	vld.idx.msk [tilespmem:v39+s18+$0x0], $0xffff;
	v50 =	vmul.u32 $0xD0, v58  }
0x51: {  	v49 =	vand.u32 $0x7, v49;
	v61 =	vmul.u32 $0xD0, v59;
	v60 =	vand.u32 $0xF8, v41;
	v36 =	vld.idx.msk [tilespmem:v45+s18+$0x0], $0xffff  }
0x52: {  	v32 =	vadd.f32 v63, v32;
	v41 =	vand.u32 $0x7, v41;
	v42 =	vld.idx.msk [tilespmem:v42+s18+$0x0], $0xffff;
	v50 =	vadd.s32 v60, v50  }
0x53: {  	v39 =	vadd.f32 v57, v56;
	v45 =	vld.idx.msk [tilespmem:v48+s18+$0x0], $0xffff;
	v63 =	vadd.s32 v62, v61;
	v48 =	vor.u32 v41, v50  }
0x54: {  	s1 =	simm.s32 $0x100;
	v41 =	vld.idx.msk [tilespmem:v52+s18+$0x0], $0xffff;
	v50 =	vor.u32 v49, v63;
	v49 =	vadd.s32 $0x1520, v48;
	v52 =	vadd.s32 $0x3F60, v48  }
.LBB2_3:
0x55: {  	p0 =	sne.s32 s1, $0x2840;
	v53 =	vld [tilespmem:s0+$0xC6B0];
	v54 =	vadd.s32 $0x1520, v50;
	v55 =	vadd.s32 $0x2A40, v48;
	v56 =	vadd.s32 $0x3F60, v50  }
0x56: {  	v36 =	vmul.f32 v38, v36;
	v57 =	vmul.f32 v34, v35;
	v34 =	vld.idx.msk [tilespmem:v47+s18+$0x0], $0xffff;
	v47 =	vadd.s32 $0x2A40, v50  }
0x57: {  	v38 =	vmul.f32 v43, v37;
	v37 =	vmov v44;
	v43 =	vld.idx.msk [tilespmem:v46+s18+$0x0], $0xffff;
	v46 =	vmov v50  }
0x58: {  	v42 =	vmul.f32 v45, v42;
	v32 =	vadd.f32 v36, v32;
	v33 =	vadd.f32 v57, v33;
	v44 =	vld.idx.msk [tilespmem:v48+s18+$0x0], $0xffff  }
0x59: {  	v40 =	vadd.f32 v38, v40;
	v35 =	vmov v41;
	v45 =	vshra.s32 v51, $0x8;
	v36 =	vld.idx.msk [tilespmem:v52+s18+$0x0], $0xffff  }
.Ltmp0:
0x5a: {  	v39 =	vadd.f32 v42, v39;
	v41 =	vshra.s32 v53, $0x8;
	v45 =	vmul.u32 $0xD0, v45;
	v38 =	vld.idx.msk [tilespmem:v56+s18+$0x0], $0xffff;
	(pc) =	sbr.rel @p0 .LBB2_3-.Ltmp0, $4  }
0x5b: {  	v48 =	vand.u32 $0xF8, v51;
	v41 =	vmul.u32 $0xD0, v41;
	v42 =	vld.idx.msk [tilespmem:v49+s18+$0x0], $0xffff  }
0x5c: {  	v50 =	vand.u32 $0xF8, v53;
	v49 =	vand.u32 $0x7, v51;
	v48 =	vadd.s32 v48, v45;
	v45 =	vld.idx.msk [tilespmem:v54+s18+$0x0], $0xffff  }
0x5d: {  	s0 =	sshra.s32 s1, $0x2;
	v52 =	vand.u32 $0x7, v53;
	v48 =	vor.u32 v49, v48;
	v49 =	vadd.s32 v50, v41;
	v41 =	vld.idx.msk [tilespmem:v55+s18+$0x0], $0xffff  }
0x5e: {  	s1 =	sadd.s32 $0x40, s1;
	v51 =	vld [tilespmem:s0+$0xBC80];
	v50 =	vor.u32 v52, v49;
	v49 =	vadd.s32 $0x1520, v48;
	v52 =	vadd.s32 $0x3F60, v48  }
0x5f: {  	v53 =	vld [tilespmem:s0+$0xC6B0]  }
0x60: {  	v54 =	vld [tilespmem:$0xC6A0]  }
0x61: {  	v56 =	vld [tilespmem:$0xD0D0];
	_ =	sdelay $0x1  }
0x62: {  	v58 =	vadd.s32 $0x3F60, v50;
	v55 =	vshra.s32 v51, $0x8;
	v59 =	vand.u32 $0xF8, v51  }
0x63: {  	v51 =	vand.u32 $0x7, v51;
	v57 =	vshra.s32 v53, $0x8;
	v55 =	vmul.u32 $0xD0, v55  }
0x64: {  	v60 =	vand.u32 $0xF8, v53;
	v53 =	vand.u32 $0x7, v53;
	v57 =	vmul.u32 $0xD0, v57  }
0x65: {  	v63 =	vshra.s32 v54, $0x8;
	v55 =	vadd.s32 v59, v55;
	v59 =	vshra.s32 v56, $0x8  }
0x66: {  	v47 =	vld.idx.msk [tilespmem:v47+s18+$0x0], $0xffff;
	v51 =	vor.u32 v51, v55;
	v57 =	vadd.s32 v60, v57;
	v55 =	vmul.u32 $0xD0, v63  }
0x67: {  	v46 =	vld.idx.msk [tilespmem:v46+s18+$0x0], $0xffff;
	v59 =	vmul.u32 $0xD0, v59;
	v53 =	vor.u32 v53, v57;
	v57 =	vand.u32 $0xF8, v54  }
0x68: {  	v52 =	vld.idx.msk [tilespmem:v52+s18+$0x0], $0xffff;
	v61 =	vand.u32 $0xF8, v56;
	v54 =	vand.u32 $0x7, v54;
	v55 =	vadd.s32 v57, v55  }
0x69: {  	v56 =	vand.u32 $0x7, v56;
	v60 =	vld.idx.msk [tilespmem:v48+s18+$0x0], $0xffff;
	v59 =	vadd.s32 v61, v59;
	v54 =	vor.u32 v54, v55  }
0x6a: {  	v57 =	vld.idx.msk [tilespmem:v58+s18+$0x0], $0xffff;
	v55 =	vor.u32 v56, v59  }
0x6b: {  	v37 =	vmul.f32 v43, v37;
	v58 =	vld.idx.msk [tilespmem:v50+s18+$0x0], $0xffff  }
0x6c: {  	v48 =	vadd.s32 $0x2A40, v48;
	v59 =	vld.idx.msk [tilespmem:v51+s18+$0x0], $0xffff  }
0x6d: {  	v37 =	vadd.f32 v37, v40;
	v40 =	vadd.s32 $0x3F60, v53;
	v43 =	vld.idx.msk [tilespmem:v53+s18+$0x0], $0xffff  }
0x6e: {  	v56 =	vadd.s32 $0x1520, v50;
	v62 =	vld.idx.msk [tilespmem:v54+s18+$0x0], $0xffff  }
0x6f: {  	v44 =	vmul.f32 v46, v44;
	v50 =	vadd.s32 $0x2A40, v50;
	v46 =	vld.idx.msk [tilespmem:v55+s18+$0x0], $0xffff  }
0x70: {  	v49 =	vld.idx.msk [tilespmem:v49+s18+$0x0], $0xffff;
	v61 =	vadd.s32 $0x3F60, v51  }
0x71: {  	v37 =	vadd.f32 v44, v37;
	v44 =	vld.idx.msk [tilespmem:v48+s18+$0x0], $0xffff;
	v48 =	vmul.f32 v58, v60;
	v60 =	vadd.s32 $0x1520, v53  }
0x72: {  	v63 =	vadd.s32 $0x1520, v51;
	v40 =	vld.idx.msk [tilespmem:v40+s18+$0x0], $0xffff  }
0x73: {  	v56 =	vld.idx.msk [tilespmem:v56+s18+$0x0], $0xffff;
	v37 =	vadd.f32 v48, v37;
	v48 =	vadd.s32 $0x2A40, v53;
	v43 =	vmul.f32 v43, v59  }
0x74: {  	v51 =	vadd.s32 $0x2A40, v51;
	v50 =	vld.idx.msk [tilespmem:v50+s18+$0x0], $0xffff;
	v46 =	vmul.f32 v46, v62  }
0x75: {  	v53 =	vld.idx.msk [tilespmem:v61+s18+$0x0], $0xffff;
	v37 =	vadd.f32 v43, v37;
	v43 =	vadd.s32 $0x1520, v54  }
0x76: {  	v58 =	vld.idx.msk [tilespmem:v60+s18+$0x0], $0xffff;
	v60 =	vadd.s32 $0x1520, v55;
	v46 =	vnsel vm1, $0x0, v46  }
0x77: {  	s1 =	sshll.u32 s30, $0x7;
	v59 =	vld.idx.msk [tilespmem:v63+s18+$0x0], $0xffff;
	v37 =	vadd.f32 v46, v37  }
0x78: {  	s0 =	sand.u32 $0x3FFFFF80, s1;
	v48 =	vld.idx.msk [tilespmem:v48+s18+$0x0], $0xffff  }
0x79: {  	v46 =	vld.idx.msk [tilespmem:v51+s18+$0x0], $0xffff;
	[tilespmem:s0+$0xD170] =	vst v37  }
0x7a: {  	v37 =	vld.idx.msk [tilespmem:v43+s18+$0x0], $0xffff  }
0x7b: {  	v42 =	vmul.f32 v45, v42;
	v51 =	vld.idx.msk [tilespmem:v60+s18+$0x0], $0xffff;
	_ =	sdelay $0x1  }
0x7c: {  	v39 =	vadd.f32 v42, v39;
	v56 =	vmul.f32 v56, v49;
	_ =	sdelay $0x1  }
0x7d: {  	v39 =	vadd.f32 v56, v39;
	v60 =	vmul.f32 v58, v59  }
0x7e: {  	v37 =	vmul.f32 v51, v37  }
0x7f: {  	v61 =	vadd.s32 $0x2A40, v54;
	v39 =	vadd.f32 v60, v39  }
0x80: {  	v62 =	vadd.s32 $0x2A40, v55;
	v37 =	vnsel vm1, $0x0, v37  }
0x81: {  	v37 =	vadd.f32 v37, v39;
	_ =	sdelay $0x1  }
0x82: {  	v34 =	vmul.f32 v34, v35;
	[tilespmem:s0+$0xD180] =	vst v37  }
0x83: {  	v63 =	vld.idx.msk [tilespmem:v61+s18+$0x0], $0xffff  }
0x84: {  	v33 =	vadd.f32 v34, v33;
	v42 =	vmul.f32 v47, v41;
	v37 =	vld.idx.msk [tilespmem:v62+s18+$0x0], $0xffff;
	_ =	sdelay $0x1  }
0x85: {  	v33 =	vadd.f32 v42, v33;
	v45 =	vmul.f32 v50, v44;
	_ =	sdelay $0x1  }
0x86: {  	v33 =	vadd.f32 v45, v33;
	v47 =	vmul.f32 v48, v46  }
0x87: {  	v35 =	vmul.f32 v37, v63  }
0x88: {  	v48 =	vadd.s32 $0x3F60, v54;
	v33 =	vadd.f32 v47, v33  }
0x89: {  	v49 =	vadd.s32 $0x3F60, v55;
	v35 =	vnsel vm1, $0x0, v35  }
0x8a: {  	v33 =	vadd.f32 v35, v33;
	_ =	sdelay $0x1  }
0x8b: {  	[tilespmem:s0+$0xD190] =	vst v33  }
0x8c: {  	v33 =	vld.idx.msk [tilespmem:v48+s18+$0x0], $0xffff  }
0x8d: {  	v50 =	vmul.f32 v38, v36;
	v51 =	vld.idx.msk [tilespmem:v49+s18+$0x0], $0xffff;
	_ =	sdelay $0x1  }
0x8e: {  	v52 =	vmul.f32 v57, v52;
	v32 =	vadd.f32 v50, v32;
	_ =	sdelay $0x1  }
0x8f: {  	v32 =	vadd.f32 v52, v32;
	v54 =	vmul.f32 v40, v53  }
0x90: {  	v33 =	vmul.f32 v51, v33  }
0x91: {  	v32 =	vadd.f32 v54, v32  }
0x92: {  	v33 =	vnsel vm1, $0x0, v33  }
0x93: {  	v32 =	vadd.f32 v33, v32;
	_ =	sdelay $0x1  }
0x94: {  	[tilespmem:s0+$0xD1A0] =	vst v32  }
0x95: {  	_ =	swait.ge [sflag:s24], $0x5480  }
0x96: {  	p0 =	seq.s32 s30, $0xF;
	[sflag:s24] =	ssyncset.done $0x0  }
0x97: {  	s0 =	smul.u32 @!p0 $0x340, s30;
	[sflag:s24] =	ssyncadd.s32 $0xFFFFAB80  }
0x98: {  	_ =	swait.ge [sflag:s25], $0x68  }
0x99: {  	s1 =	simm.s32 @!p0 $0x68;
	s0 =	sshra.s32 @!p0 s0, $0x2;
	[sflag:s25] =	ssyncset.done $0x0  }
0x9a: {  	s13 =	simm.s32 @!p0 $0xD00;
	s0 =	sadd.s32 @!p0 $0xD0, s0;
	[sflag:s25] =	ssyncadd.s32 $0xFFFFFF98  }
0x9b: {  	[tilespmem:s13], [sflag:$0x1] =	stream.indirect.gather @!p0 [hbm4b:s3+s1], $0xD0, s0, s1, $0xb8;
	[tilespmem:$0xD9F0] =	vst v63  }
0x9c: {  	s13 =	simm.s32 @!p0 $0xB600  }
0x9d: {  	[tilespmem:s13], [sflag:$0x3] =	stream.indirect.gather @!p0 [hbm4b:s4+s1], $0x1, s0, s1, $0xb8;
	[tilespmem:$0xD9F0] =	vst v63  }
0x9e: {  	v55 =	vld [tilespmem:$0xD0E0]  }
0x9f: {  	v56 =	vld [tilespmem:$0xD0F0]  }
0xa0: {  	s13 =	simm.s32 $0x0;
	v57 =	vld [tilespmem:$0xD100]  }
0xa1: {  	v62 =	vld [tilespmem:s13+$0xBC80]  }
0xa2: {  	v58 =	vld [tilespmem:$0xD110]  }
0xa3: {  	v59 =	vld [tilespmem:$0xD120]  }
0xa4: {  	v60 =	vld [tilespmem:$0xD130]  }
0xa5: {  	v61 =	vld [tilespmem:$0xD140]  }
0xa6: {  	v63 =	vld [tilespmem:s13+$0xC6B0];
	v32 =	vshll.u32 v55, $0x3;
	v49 =	vshra.s32 v62, $0x8  }
0xa7: {  	s1 =	simm.s32 $0x10;
	v48 =	vld [tilespmem:$0xD150];
	v33 =	vshll.u32 v56, $0x3;
	v42 =	vmul.u32 $0xD0, v49  }
0xa8: {  	v45 =	vld [tilespmem:s1+$0xC6B0];
	s13 =	simm.s32 $0x20;
	v34 =	vshll.u32 v57, $0x3;
	v52 =	vand.u32 $0xF8, v62  }
0xa9: {  	v35 =	vshll.u32 v58, $0x3;
	v39 =	vand.u32 $0x7, v62;
	v49 =	vld [tilespmem:s13+$0xC6B0];
	v41 =	vadd.s32 v52, v42  }
0xaa: {  	v36 =	vshll.u32 v59, $0x3;
	v39 =	vor.u32 v39, v41;
	v41 =	vld [tilespmem:s1+$0xBC80]  }
0xab: {  	v37 =	vshll.u32 v60, $0x3;
	v50 =	vshra.s32 v63, $0x8;
	v32 =	vld.idx.msk [tilespmem:v32+s23+$0x0], $0xffff  }
0xac: {  	v38 =	vshll.u32 v61, $0x3;
	v43 =	vmul.u32 $0xD0, v50;
	v33 =	vld.idx.msk [tilespmem:v33+s23+$0x0], $0xffff  }
0xad: {  	v51 =	vshll.u32 v48, $0x3;
	v53 =	vand.u32 $0xF8, v63;
	v34 =	vld.idx.msk [tilespmem:v34+s23+$0x0], $0xffff  }
0xae: {  	v54 =	vand.u32 $0x7, v63;
	v55 =	vadd.s32 v53, v43;
	v44 =	vld.idx.msk [tilespmem:v35+s23+$0x0], $0xffff  }
0xaf: {  	v43 =	vor.u32 v54, v55;
	v36 =	vld.idx.msk [tilespmem:v36+s23+$0x0], $0xffff;
	v56 =	vadd.s32 $0x3F60, v39  }
0xb0: {  	v42 =	vld.idx.msk [tilespmem:v37+s23+$0x0], $0xffff;
	v57 =	vadd.s32 $0x3F60, v43  }
0xb1: {  	v38 =	vld.idx.msk [tilespmem:v38+s23+$0x0], $0xffff;
	v58 =	vadd.s32 $0x1520, v39  }
0xb2: {  	v48 =	vld.idx.msk [tilespmem:v51+s23+$0x0], $0xffff;
	v59 =	vadd.s32 $0x1520, v43  }
0xb3: {  	v62 =	vshra.s32 v45, $0x8;
	v37 =	vld.idx.msk [tilespmem:v39+s22+$0x0], $0xffff  }
0xb4: {  	v40 =	vmul.u32 $0xD0, v62;
	v60 =	vadd.s32 $0x2A40, v39;
	v61 =	vshra.s32 v41, $0x8;
	v50 =	vld.idx.msk [tilespmem:v56+s22+$0x0], $0xffff  }
0xb5: {  	v63 =	vadd.s32 $0x2A40, v43;
	v39 =	vmul.u32 $0xD0, v61;
	v51 =	vld.idx.msk [tilespmem:v57+s22+$0x0], $0xffff;
	v57 =	vand.u32 $0xF8, v41  }
0xb6: {  	v53 =	vld.idx.msk [tilespmem:v58+s22+$0x0], $0xffff;
	v41 =	vand.u32 $0x7, v41;
	v58 =	vand.u32 $0xF8, v45;
	v45 =	vand.u32 $0x7, v45  }
0xb7: {  	v54 =	vld.idx.msk [tilespmem:v59+s22+$0x0], $0xffff;
	v33 =	vnsel vm0, $0x0, v33;
	v40 =	vadd.s32 v58, v40;
	v39 =	vadd.s32 v57, v39  }
0xb8: {  	v59 =	vnsel vm0, $0x0, v44;
	v46 =	vor.u32 v45, v40;
	v39 =	vor.u32 v41, v39;
	v41 =	vld [tilespmem:s13+$0xBC80]  }
0xb9: {  	v43 =	vld.idx.msk [tilespmem:v43+s22+$0x0], $0xffff;
	v61 =	vnsel vm0, $0x0, v42;
	v62 =	vnsel vm0, $0x0, v48;
	v55 =	vadd.s32 $0x3F60, v46  }
0xba: {  	v35 =	vld.idx.msk [tilespmem:v60+s22+$0x0], $0xffff;
	v60 =	vadd.f32 v59, v34;
	v59 =	vshra.s32 v49, $0x8;
	v45 =	vadd.s32 $0x3F60, v39  }
0xbb: {  	s0 =	simm.s32 $0x30;
	v34 =	vld.idx.msk [tilespmem:v63+s22+$0x0], $0xffff;
	v40 =	vadd.f32 v33, v32;
	v33 =	vadd.f32 v61, v36;
	v42 =	vadd.s32 $0x1520, v39  }
0xbc: {  	v32 =	vadd.f32 v62, v38;
	v48 =	vadd.s32 $0x1520, v46;
	v63 =	vmul.f32 v51, v50;
	v51 =	vld [tilespmem:s0+$0xBC80]  }
0xbd: {  	v52 =	vadd.s32 $0x2A40, v39;
	v57 =	vmul.f32 v54, v53;
	v44 =	vld.idx.msk [tilespmem:v39+s22+$0x0], $0xffff;
	v58 =	vshra.s32 v41, $0x8  }
0xbe: {  	v61 =	vmul.u32 $0xD0, v59;
	v62 =	vand.u32 $0xF8, v49;
	v38 =	vld.idx.msk [tilespmem:v55+s22+$0x0], $0xffff;
	v50 =	vmul.u32 $0xD0, v58  }
0xbf: {  	v47 =	vadd.s32 $0x2A40, v46;
	v39 =	vadd.f32 v57, v60;
	v60 =	vand.u32 $0xF8, v41;
	v36 =	vld.idx.msk [tilespmem:v45+s22+$0x0], $0xffff  }
0xc0: {  	v49 =	vand.u32 $0x7, v49;
	v41 =	vand.u32 $0x7, v41;
	v42 =	vld.idx.msk [tilespmem:v42+s22+$0x0], $0xffff;
	v50 =	vadd.s32 v60, v50  }
0xc1: {  	v32 =	vadd.f32 v63, v32;
	v63 =	vadd.s32 v62, v61;
	v45 =	vld.idx.msk [tilespmem:v48+s22+$0x0], $0xffff;
	v48 =	vor.u32 v41, v50  }
0xc2: {  	s1 =	simm.s32 $0x100;
	v41 =	vld.idx.msk [tilespmem:v52+s22+$0x0], $0xffff;
	v50 =	vor.u32 v49, v63;
	v49 =	vadd.s32 $0x1520, v48;
	v52 =	vadd.s32 $0x3F60, v48  }
.LBB2_5:
0xc3: {  	p0 =	sne.s32 s1, $0x2840;
	v53 =	vld [tilespmem:s0+$0xC6B0];
	v54 =	vadd.s32 $0x1520, v50;
	v55 =	vadd.s32 $0x2A40, v48;
	v56 =	vadd.s32 $0x3F60, v50  }
0xc4: {  	v36 =	vmul.f32 v38, v36;
	v57 =	vmul.f32 v34, v35;
	v34 =	vld.idx.msk [tilespmem:v47+s22+$0x0], $0xffff;
	v47 =	vadd.s32 $0x2A40, v50  }
0xc5: {  	v38 =	vmul.f32 v43, v37;
	v37 =	vmov v44;
	v43 =	vld.idx.msk [tilespmem:v46+s22+$0x0], $0xffff;
	v46 =	vmov v50  }
0xc6: {  	v42 =	vmul.f32 v45, v42;
	v32 =	vadd.f32 v36, v32;
	v33 =	vadd.f32 v57, v33;
	v44 =	vld.idx.msk [tilespmem:v48+s22+$0x0], $0xffff  }
0xc7: {  	v40 =	vadd.f32 v38, v40;
	v35 =	vmov v41;
	v45 =	vshra.s32 v51, $0x8;
	v36 =	vld.idx.msk [tilespmem:v52+s22+$0x0], $0xffff  }
.Ltmp1:
0xc8: {  	v39 =	vadd.f32 v42, v39;
	v41 =	vshra.s32 v53, $0x8;
	v45 =	vmul.u32 $0xD0, v45;
	v38 =	vld.idx.msk [tilespmem:v56+s22+$0x0], $0xffff;
	(pc) =	sbr.rel @p0 .LBB2_5-.Ltmp1, $4  }
0xc9: {  	v48 =	vand.u32 $0xF8, v51;
	v41 =	vmul.u32 $0xD0, v41;
	v42 =	vld.idx.msk [tilespmem:v49+s22+$0x0], $0xffff  }
0xca: {  	v50 =	vand.u32 $0xF8, v53;
	v49 =	vand.u32 $0x7, v51;
	v48 =	vadd.s32 v48, v45;
	v45 =	vld.idx.msk [tilespmem:v54+s22+$0x0], $0xffff  }
0xcb: {  	s0 =	sshra.s32 s1, $0x2;
	v52 =	vand.u32 $0x7, v53;
	v48 =	vor.u32 v49, v48;
	v49 =	vadd.s32 v50, v41;
	v41 =	vld.idx.msk [tilespmem:v55+s22+$0x0], $0xffff  }
0xcc: {  	s1 =	sadd.s32 $0x40, s1;
	v51 =	vld [tilespmem:s0+$0xBC80];
	v50 =	vor.u32 v52, v49;
	v49 =	vadd.s32 $0x1520, v48;
	v52 =	vadd.s32 $0x3F60, v48  }
0xcd: {  	v53 =	vld [tilespmem:s0+$0xC6B0]  }
0xce: {  	v54 =	vld [tilespmem:$0xC6A0]  }
0xcf: {  	v56 =	vld [tilespmem:$0xD0D0];
	_ =	sdelay $0x1  }
0xd0: {  	v58 =	vadd.s32 $0x3F60, v50;
	v55 =	vshra.s32 v51, $0x8;
	v59 =	vand.u32 $0xF8, v51  }
0xd1: {  	v51 =	vand.u32 $0x7, v51;
	v57 =	vshra.s32 v53, $0x8;
	v55 =	vmul.u32 $0xD0, v55  }
0xd2: {  	v60 =	vand.u32 $0xF8, v53;
	v53 =	vand.u32 $0x7, v53;
	v57 =	vmul.u32 $0xD0, v57  }
0xd3: {  	v63 =	vshra.s32 v54, $0x8;
	v55 =	vadd.s32 v59, v55;
	v59 =	vshra.s32 v56, $0x8  }
0xd4: {  	v47 =	vld.idx.msk [tilespmem:v47+s22+$0x0], $0xffff;
	v51 =	vor.u32 v51, v55;
	v57 =	vadd.s32 v60, v57;
	v55 =	vmul.u32 $0xD0, v63  }
0xd5: {  	v46 =	vld.idx.msk [tilespmem:v46+s22+$0x0], $0xffff;
	v59 =	vmul.u32 $0xD0, v59;
	v53 =	vor.u32 v53, v57;
	v57 =	vand.u32 $0xF8, v54  }
0xd6: {  	v52 =	vld.idx.msk [tilespmem:v52+s22+$0x0], $0xffff;
	v61 =	vand.u32 $0xF8, v56;
	v54 =	vand.u32 $0x7, v54;
	v55 =	vadd.s32 v57, v55  }
0xd7: {  	v56 =	vand.u32 $0x7, v56;
	v60 =	vld.idx.msk [tilespmem:v48+s22+$0x0], $0xffff;
	v59 =	vadd.s32 v61, v59;
	v54 =	vor.u32 v54, v55  }
0xd8: {  	v57 =	vld.idx.msk [tilespmem:v58+s22+$0x0], $0xffff;
	v55 =	vor.u32 v56, v59  }
0xd9: {  	v37 =	vmul.f32 v43, v37;
	v58 =	vld.idx.msk [tilespmem:v50+s22+$0x0], $0xffff  }
0xda: {  	v48 =	vadd.s32 $0x2A40, v48;
	v59 =	vld.idx.msk [tilespmem:v51+s22+$0x0], $0xffff  }
0xdb: {  	v37 =	vadd.f32 v37, v40;
	v40 =	vadd.s32 $0x3F60, v53;
	v43 =	vld.idx.msk [tilespmem:v53+s22+$0x0], $0xffff  }
0xdc: {  	v56 =	vadd.s32 $0x1520, v50;
	v62 =	vld.idx.msk [tilespmem:v54+s22+$0x0], $0xffff  }
0xdd: {  	v44 =	vmul.f32 v46, v44;
	v50 =	vadd.s32 $0x2A40, v50;
	v46 =	vld.idx.msk [tilespmem:v55+s22+$0x0], $0xffff  }
0xde: {  	v49 =	vld.idx.msk [tilespmem:v49+s22+$0x0], $0xffff;
	v61 =	vadd.s32 $0x3F60, v51  }
0xdf: {  	v37 =	vadd.f32 v44, v37;
	v44 =	vld.idx.msk [tilespmem:v48+s22+$0x0], $0xffff;
	v48 =	vmul.f32 v58, v60;
	v60 =	vadd.s32 $0x1520, v53  }
0xe0: {  	v63 =	vadd.s32 $0x1520, v51;
	v40 =	vld.idx.msk [tilespmem:v40+s22+$0x0], $0xffff  }
0xe1: {  	v56 =	vld.idx.msk [tilespmem:v56+s22+$0x0], $0xffff;
	v37 =	vadd.f32 v48, v37;
	v48 =	vadd.s32 $0x2A40, v53;
	v43 =	vmul.f32 v43, v59  }
0xe2: {  	v51 =	vadd.s32 $0x2A40, v51;
	v50 =	vld.idx.msk [tilespmem:v50+s22+$0x0], $0xffff;
	v46 =	vmul.f32 v46, v62  }
0xe3: {  	v53 =	vld.idx.msk [tilespmem:v61+s22+$0x0], $0xffff;
	v37 =	vadd.f32 v43, v37;
	v43 =	vadd.s32 $0x1520, v54  }
0xe4: {  	v58 =	vld.idx.msk [tilespmem:v60+s22+$0x0], $0xffff;
	v60 =	vadd.s32 $0x1520, v55;
	v46 =	vnsel vm1, $0x0, v46  }
0xe5: {  	s31 =	sshll.u32 s31, $0x6;
	v59 =	vld.idx.msk [tilespmem:v63+s22+$0x0], $0xffff;
	v37 =	vadd.f32 v46, v37  }
0xe6: {  	s0 =	sand.u32 $0x3FFFFFC0, s31;
	v48 =	vld.idx.msk [tilespmem:v48+s22+$0x0], $0xffff  }
0xe7: {  	v46 =	vld.idx.msk [tilespmem:v51+s22+$0x0], $0xffff;
	[tilespmem:s0+$0xD170] =	vst v37  }
0xe8: {  	v37 =	vld.idx.msk [tilespmem:v43+s22+$0x0], $0xffff  }
0xe9: {  	v42 =	vmul.f32 v45, v42;
	v51 =	vld.idx.msk [tilespmem:v60+s22+$0x0], $0xffff;
	_ =	sdelay $0x1  }
0xea: {  	v39 =	vadd.f32 v42, v39;
	v60 =	vmul.f32 v56, v49;
	_ =	sdelay $0x1  }
0xeb: {  	v61 =	vmul.f32 v58, v59;
	v39 =	vadd.f32 v60, v39  }
0xec: {  	v37 =	vmul.f32 v51, v37  }
0xed: {  	v62 =	vadd.s32 $0x2A40, v54;
	v39 =	vadd.f32 v61, v39  }
0xee: {  	v63 =	vadd.s32 $0x2A40, v55;
	v37 =	vnsel vm1, $0x0, v37  }
0xef: {  	v37 =	vadd.f32 v37, v39;
	_ =	sdelay $0x1  }
0xf0: {  	v34 =	vmul.f32 v34, v35;
	[tilespmem:s0+$0xD180] =	vst v37  }
0xf1: {  	v45 =	vld.idx.msk [tilespmem:v62+s22+$0x0], $0xffff  }
0xf2: {  	v33 =	vadd.f32 v34, v33;
	v49 =	vmul.f32 v47, v41;
	v37 =	vld.idx.msk [tilespmem:v63+s22+$0x0], $0xffff;
	_ =	sdelay $0x1  }
0xf3: {  	v33 =	vadd.f32 v49, v33;
	v51 =	vmul.f32 v50, v44;
	_ =	sdelay $0x1  }
0xf4: {  	v56 =	vmul.f32 v48, v46;
	v33 =	vadd.f32 v51, v33  }
0xf5: {  	v35 =	vmul.f32 v37, v45  }
0xf6: {  	v58 =	vadd.s32 $0x3F60, v54;
	v33 =	vadd.f32 v56, v33  }
0xf7: {  	v59 =	vadd.s32 $0x3F60, v55;
	v35 =	vnsel vm1, $0x0, v35  }
0xf8: {  	v33 =	vadd.f32 v35, v33;
	_ =	sdelay $0x1  }
0xf9: {  	[tilespmem:s0+$0xD190] =	vst v33  }
0xfa: {  	v33 =	vld.idx.msk [tilespmem:v58+s22+$0x0], $0xffff  }
0xfb: {  	v60 =	vmul.f32 v38, v36;
	v61 =	vld.idx.msk [tilespmem:v59+s22+$0x0], $0xffff;
	_ =	sdelay $0x1  }
0xfc: {  	v32 =	vadd.f32 v60, v32;
	v62 =	vmul.f32 v57, v52;
	_ =	sdelay $0x1  }
0xfd: {  	s30 =	sadd.s32 $0x1, s30;
	v63 =	vmul.f32 v40, v53;
	v32 =	vadd.f32 v62, v32  }
0xfe: {  	p0 =	sne.s32 s30, $0x10;
	v33 =	vmul.f32 v61, v33  }
.Ltmp2:
0xff: {  	v32 =	vadd.f32 v63, v32;
	(pc) =	sbr.rel @p0 .LBB2_2-.Ltmp2, $3  }
0x100: {  	v33 =	vnsel vm1, $0x0, v33  }
0x101: {  	v32 =	vadd.f32 v33, v32;
	_ =	sdelay $0x1  }
0x102: {  	[tilespmem:s0+$0xD1A0] =	vst v32  }
0x103: {  	_ =	sdelay $0x3  }
0x104: {  	v32 =	vld.idx.msk [tilespmem:v0+s26+$0x0], $0xffff;
	_ =	sdelay $0x1  }
0x105: {  	v33 =	vld.idx.msk [tilespmem:v1+s26+$0x0], $0xffff;
	_ =	sdelay $0x1  }
0x106: {  	v34 =	vld.idx.msk [tilespmem:v2+s26+$0x0], $0xffff  }
0x107: {  	v32 =	vadd.f32 $0.0e+00, v32  }
0x108: {  	v35 =	vld.idx.msk [tilespmem:v3+s26+$0x0], $0xffff  }
0x109: {  	v32 =	vadd.f32 v33, v32  }
0x10a: {  	v47 =	vld.idx.msk [tilespmem:v4+s26+$0x0], $0xffff  }
0x10b: {  	v32 =	vadd.f32 v34, v32  }
0x10c: {  	v48 =	vld.idx.msk [tilespmem:v5+s26+$0x0], $0xffff  }
0x10d: {  	v32 =	vadd.f32 v35, v32  }
0x10e: {  	v49 =	vld.idx.msk [tilespmem:v6+s26+$0x0], $0xffff  }
0x10f: {  	v32 =	vadd.f32 v47, v32  }
0x110: {  	v50 =	vld.idx.msk [tilespmem:v7+s26+$0x0], $0xffff  }
0x111: {  	v32 =	vadd.f32 v48, v32  }
0x112: {  	v51 =	vld.idx.msk [tilespmem:v8+s26+$0x0], $0xffff  }
0x113: {  	v32 =	vadd.f32 v49, v32  }
0x114: {  	v52 =	vld.idx.msk [tilespmem:v9+s26+$0x0], $0xffff  }
0x115: {  	v32 =	vadd.f32 v50, v32  }
0x116: {  	v53 =	vld.idx.msk [tilespmem:v10+s26+$0x0], $0xffff  }
0x117: {  	v32 =	vadd.f32 v51, v32  }
0x118: {  	v54 =	vld.idx.msk [tilespmem:v11+s26+$0x0], $0xffff  }
0x119: {  	v32 =	vadd.f32 v52, v32  }
0x11a: {  	v55 =	vld.idx.msk [tilespmem:v12+s26+$0x0], $0xffff  }
0x11b: {  	v32 =	vadd.f32 v53, v32  }
0x11c: {  	v56 =	vld.idx.msk [tilespmem:v13+s26+$0x0], $0xffff  }
0x11d: {  	v32 =	vadd.f32 v54, v32  }
0x11e: {  	v57 =	vld.idx.msk [tilespmem:v14+s26+$0x0], $0xffff  }
0x11f: {  	v32 =	vadd.f32 v55, v32  }
0x120: {  	v58 =	vld.idx.msk [tilespmem:v15+s26+$0x0], $0xffff  }
0x121: {  	v33 =	vadd.f32 v56, v32  }
0x122: {  	v32 =	vld [tilespmem:$0xD160]  }
0x123: {  	v33 =	vadd.f32 v57, v33;
	_ =	sdelay $0x1  }
0x124: {  	v33 =	vadd.f32 v58, v33;
	_ =	sdelay $0x1  }
0x125: {  	v33 =	vadd.f32 v33, v32;
	_ =	sdelay $0x1  }
0x126: {  	v33 =	vsub.f32 $0.0e+00, v33;
	_ =	sdelay $0x1  }
0x127: {  	v33 =	vmul.f32 $1.442695020e+00, v33;
	_ =	sdelay $0x1  }
0x128: {  	(erf) = vpow2.f32 v33;
	_ =	sdelay $0x8  }
0x129: {  	v33 =	vpop (erf)  }
0x12a: {  	v33 =	vadd.f32 $1.000000000e+00, v33;
	_ =	sdelay $0x1  }
0x12b: {  	(erf) = vrcp.f32 v33;
	_ =	sdelay $0x8  }
0x12c: {  	v33 =	vpop (erf)  }
0x12d: {  	[tilespmem:$0xD970] =	vst v33  }
0x12e: {  	v33 =	vld.idx.msk [tilespmem:v16+s26+$0x0], $0xffff;
	_ =	sdelay $0x1  }
0x12f: {  	v59 =	vld.idx.msk [tilespmem:v17+s26+$0x0], $0xffff;
	_ =	sdelay $0x1  }
0x130: {  	v60 =	vld.idx.msk [tilespmem:v18+s26+$0x0], $0xffff  }
0x131: {  	v33 =	vadd.f32 $0.0e+00, v33  }
0x132: {  	v36 =	vld.idx.msk [tilespmem:v19+s26+$0x0], $0xffff  }
0x133: {  	v33 =	vadd.f32 v59, v33  }
0x134: {  	v61 =	vld.idx.msk [tilespmem:v20+s26+$0x0], $0xffff  }
0x135: {  	v33 =	vadd.f32 v60, v33  }
0x136: {  	v62 =	vld.idx.msk [tilespmem:v21+s26+$0x0], $0xffff  }
0x137: {  	v33 =	vadd.f32 v36, v33  }
0x138: {  	v63 =	vld.idx.msk [tilespmem:v22+s26+$0x0], $0xffff  }
0x139: {  	v33 =	vadd.f32 v61, v33  }
0x13a: {  	v40 =	vld.idx.msk [tilespmem:v23+s26+$0x0], $0xffff  }
0x13b: {  	v33 =	vadd.f32 v62, v33  }
0x13c: {  	v41 =	vld.idx.msk [tilespmem:v24+s26+$0x0], $0xffff  }
0x13d: {  	v33 =	vadd.f32 v63, v33  }
0x13e: {  	v42 =	vld.idx.msk [tilespmem:v25+s26+$0x0], $0xffff  }
0x13f: {  	v33 =	vadd.f32 v40, v33  }
0x140: {  	v43 =	vld.idx.msk [tilespmem:v26+s26+$0x0], $0xffff  }
0x141: {  	v33 =	vadd.f32 v41, v33  }
0x142: {  	v44 =	vld.idx.msk [tilespmem:v27+s26+$0x0], $0xffff  }
0x143: {  	v33 =	vadd.f32 v42, v33  }
0x144: {  	v45 =	vld.idx.msk [tilespmem:v28+s26+$0x0], $0xffff  }
0x145: {  	v33 =	vadd.f32 v43, v33  }
0x146: {  	v46 =	vld.idx.msk [tilespmem:v29+s26+$0x0], $0xffff  }
0x147: {  	v33 =	vadd.f32 v44, v33  }
0x148: {  	v47 =	vld.idx.msk [tilespmem:v30+s26+$0x0], $0xffff  }
0x149: {  	v33 =	vadd.f32 v45, v33  }
0x14a: {  	v48 =	vld.idx.msk [tilespmem:v31+s26+$0x0], $0xffff  }
0x14b: {  	v33 =	vadd.f32 v46, v33;
	_ =	sdelay $0x1  }
0x14c: {  	v33 =	vadd.f32 v47, v33;
	_ =	sdelay $0x1  }
0x14d: {  	v33 =	vadd.f32 v48, v33;
	_ =	sdelay $0x1  }
0x14e: {  	v33 =	vadd.f32 v33, v32;
	_ =	sdelay $0x1  }
0x14f: {  	v33 =	vsub.f32 $0.0e+00, v33;
	_ =	sdelay $0x1  }
0x150: {  	v33 =	vmul.f32 $1.442695020e+00, v33;
	_ =	sdelay $0x1  }
0x151: {  	(erf) = vpow2.f32 v33;
	_ =	sdelay $0x8  }
0x152: {  	v33 =	vpop (erf)  }
0x153: {  	v33 =	vadd.f32 $1.000000000e+00, v33;
	_ =	sdelay $0x1  }
0x154: {  	(erf) = vrcp.f32 v33;
	_ =	sdelay $0x5  }
0x155: {  	v49 =	vor.u32 $0x200, v0;
	_ =	sdelay $0x1  }
0x156: {  	v50 =	vor.u32 $0x201, v0  }
0x157: {  	v51 =	vpop (erf)  }
0x158: {  	v52 =	vor.u32 $0x202, v0;
	[tilespmem:$0xD980] =	vst v51  }
0x159: {  	v33 =	vld.idx.msk [tilespmem:v49+s26+$0x0], $0xffff  }
0x15a: {  	v53 =	vor.u32 $0x203, v0  }
0x15b: {  	v34 =	vld.idx.msk [tilespmem:v50+s26+$0x0], $0xffff  }
0x15c: {  	v37 =	vor.u32 $0x204, v0  }
0x15d: {  	v35 =	vld.idx.msk [tilespmem:v52+s26+$0x0], $0xffff  }
0x15e: {  	v38 =	vor.u32 $0x205, v0;
	v33 =	vadd.f32 $0.0e+00, v33  }
0x15f: {  	v36 =	vld.idx.msk [tilespmem:v53+s26+$0x0], $0xffff  }
0x160: {  	v54 =	vor.u32 $0x206, v0;
	v33 =	vadd.f32 v34, v33  }
0x161: {  	v37 =	vld.idx.msk [tilespmem:v37+s26+$0x0], $0xffff  }
0x162: {  	v55 =	vor.u32 $0x207, v0;
	v33 =	vadd.f32 v35, v33  }
0x163: {  	v38 =	vld.idx.msk [tilespmem:v38+s26+$0x0], $0xffff  }
0x164: {  	v56 =	vor.u32 $0x208, v0;
	v33 =	vadd.f32 v36, v33  }
0x165: {  	v34 =	vld.idx.msk [tilespmem:v54+s26+$0x0], $0xffff  }
0x166: {  	v57 =	vor.u32 $0x209, v0;
	v33 =	vadd.f32 v37, v33  }
0x167: {  	v35 =	vld.idx.msk [tilespmem:v55+s26+$0x0], $0xffff  }
0x168: {  	v58 =	vor.u32 $0x20A, v0;
	v33 =	vadd.f32 v38, v33  }
0x169: {  	v36 =	vld.idx.msk [tilespmem:v56+s26+$0x0], $0xffff  }
0x16a: {  	v59 =	vor.u32 $0x20B, v0;
	v33 =	vadd.f32 v34, v33  }
0x16b: {  	v37 =	vld.idx.msk [tilespmem:v57+s26+$0x0], $0xffff  }
0x16c: {  	v60 =	vor.u32 $0x20C, v0;
	v33 =	vadd.f32 v35, v33  }
0x16d: {  	v38 =	vld.idx.msk [tilespmem:v58+s26+$0x0], $0xffff  }
0x16e: {  	v61 =	vor.u32 $0x20D, v0;
	v33 =	vadd.f32 v36, v33  }
0x16f: {  	v34 =	vld.idx.msk [tilespmem:v59+s26+$0x0], $0xffff  }
0x170: {  	v62 =	vor.u32 $0x20E, v0;
	v33 =	vadd.f32 v37, v33  }
0x171: {  	v35 =	vld.idx.msk [tilespmem:v60+s26+$0x0], $0xffff  }
0x172: {  	v63 =	vor.u32 $0x20F, v0;
	v33 =	vadd.f32 v38, v33  }
0x173: {  	v36 =	vld.idx.msk [tilespmem:v61+s26+$0x0], $0xffff  }
0x174: {  	v33 =	vadd.f32 v34, v33  }
0x175: {  	v39 =	vld.idx.msk [tilespmem:v62+s26+$0x0], $0xffff  }
0x176: {  	v33 =	vadd.f32 v35, v33  }
0x177: {  	v40 =	vld.idx.msk [tilespmem:v63+s26+$0x0], $0xffff  }
0x178: {  	v33 =	vadd.f32 v36, v33;
	_ =	sdelay $0x1  }
0x179: {  	v33 =	vadd.f32 v39, v33;
	_ =	sdelay $0x1  }
0x17a: {  	v33 =	vadd.f32 v40, v33;
	_ =	sdelay $0x1  }
0x17b: {  	v33 =	vadd.f32 v33, v32;
	_ =	sdelay $0x1  }
0x17c: {  	v33 =	vsub.f32 $0.0e+00, v33;
	_ =	sdelay $0x1  }
0x17d: {  	v33 =	vmul.f32 $1.442695020e+00, v33;
	_ =	sdelay $0x1  }
0x17e: {  	(erf) = vpow2.f32 v33;
	_ =	sdelay $0x8  }
0x17f: {  	v33 =	vpop (erf)  }
0x180: {  	v33 =	vadd.f32 $1.000000000e+00, v33;
	_ =	sdelay $0x1  }
0x181: {  	(erf) = vrcp.f32 v33;
	_ =	sdelay $0x5  }
0x182: {  	v41 =	vor.u32 $0x300, v0;
	_ =	sdelay $0x1  }
0x183: {  	v42 =	vor.u32 $0x301, v0  }
0x184: {  	v43 =	vpop (erf)  }
0x185: {  	v44 =	vor.u32 $0x302, v0;
	[tilespmem:$0xD990] =	vst v43  }
0x186: {  	v33 =	vld.idx.msk [tilespmem:v41+s26+$0x0], $0xffff  }
0x187: {  	v45 =	vor.u32 $0x303, v0  }
0x188: {  	v34 =	vld.idx.msk [tilespmem:v42+s26+$0x0], $0xffff  }
0x189: {  	v46 =	vor.u32 $0x304, v0  }
0x18a: {  	v35 =	vld.idx.msk [tilespmem:v44+s26+$0x0], $0xffff  }
0x18b: {  	v47 =	vor.u32 $0x305, v0;
	v33 =	vadd.f32 $0.0e+00, v33  }
0x18c: {  	v36 =	vld.idx.msk [tilespmem:v45+s26+$0x0], $0xffff  }
0x18d: {  	v48 =	vor.u32 $0x306, v0;
	v33 =	vadd.f32 v34, v33  }
0x18e: {  	v37 =	vld.idx.msk [tilespmem:v46+s26+$0x0], $0xffff  }
0x18f: {  	v49 =	vor.u32 $0x307, v0;
	v33 =	vadd.f32 v35, v33  }
0x190: {  	v38 =	vld.idx.msk [tilespmem:v47+s26+$0x0], $0xffff  }
0x191: {  	v50 =	vor.u32 $0x308, v0;
	v33 =	vadd.f32 v36, v33  }
0x192: {  	v34 =	vld.idx.msk [tilespmem:v48+s26+$0x0], $0xffff  }
0x193: {  	v51 =	vor.u32 $0x309, v0;
	v33 =	vadd.f32 v37, v33  }
0x194: {  	v35 =	vld.idx.msk [tilespmem:v49+s26+$0x0], $0xffff  }
0x195: {  	v52 =	vor.u32 $0x30A, v0;
	v33 =	vadd.f32 v38, v33  }
0x196: {  	v36 =	vld.idx.msk [tilespmem:v50+s26+$0x0], $0xffff  }
0x197: {  	v53 =	vor.u32 $0x30B, v0;
	v33 =	vadd.f32 v34, v33  }
0x198: {  	v37 =	vld.idx.msk [tilespmem:v51+s26+$0x0], $0xffff  }
0x199: {  	v54 =	vor.u32 $0x30C, v0;
	v33 =	vadd.f32 v35, v33  }
0x19a: {  	v38 =	vld.idx.msk [tilespmem:v52+s26+$0x0], $0xffff  }
0x19b: {  	v55 =	vor.u32 $0x30D, v0;
	v33 =	vadd.f32 v36, v33  }
0x19c: {  	v34 =	vld.idx.msk [tilespmem:v53+s26+$0x0], $0xffff  }
0x19d: {  	v56 =	vor.u32 $0x30E, v0;
	v33 =	vadd.f32 v37, v33  }
0x19e: {  	v35 =	vld.idx.msk [tilespmem:v54+s26+$0x0], $0xffff  }
0x19f: {  	v57 =	vor.u32 $0x30F, v0;
	v33 =	vadd.f32 v38, v33  }
0x1a0: {  	v36 =	vld.idx.msk [tilespmem:v55+s26+$0x0], $0xffff  }
0x1a1: {  	v33 =	vadd.f32 v34, v33  }
0x1a2: {  	v58 =	vld.idx.msk [tilespmem:v56+s26+$0x0], $0xffff  }
0x1a3: {  	v33 =	vadd.f32 v35, v33  }
0x1a4: {  	v59 =	vld.idx.msk [tilespmem:v57+s26+$0x0], $0xffff  }
0x1a5: {  	v33 =	vadd.f32 v36, v33;
	_ =	sdelay $0x1  }
0x1a6: {  	v33 =	vadd.f32 v58, v33;
	_ =	sdelay $0x1  }
0x1a7: {  	v33 =	vadd.f32 v59, v33;
	_ =	sdelay $0x1  }
0x1a8: {  	v33 =	vadd.f32 v33, v32;
	_ =	sdelay $0x1  }
0x1a9: {  	v33 =	vsub.f32 $0.0e+00, v33;
	_ =	sdelay $0x1  }
0x1aa: {  	v33 =	vmul.f32 $1.442695020e+00, v33;
	_ =	sdelay $0x1  }
0x1ab: {  	(erf) = vpow2.f32 v33;
	_ =	sdelay $0x8  }
0x1ac: {  	v33 =	vpop (erf)  }
0x1ad: {  	v33 =	vadd.f32 $1.000000000e+00, v33;
	_ =	sdelay $0x1  }
0x1ae: {  	(erf) = vrcp.f32 v33;
	_ =	sdelay $0x5  }
0x1af: {  	v60 =	vor.u32 $0x400, v0;
	_ =	sdelay $0x1  }
0x1b0: {  	v61 =	vor.u32 $0x401, v0  }
0x1b1: {  	v62 =	vpop (erf)  }
0x1b2: {  	v63 =	vor.u32 $0x402, v0;
	[tilespmem:$0xD9A0] =	vst v62  }
0x1b3: {  	v33 =	vld.idx.msk [tilespmem:v60+s26+$0x0], $0xffff  }
0x1b4: {  	v40 =	vor.u32 $0x403, v0  }
0x1b5: {  	v34 =	vld.idx.msk [tilespmem:v61+s26+$0x0], $0xffff  }
0x1b6: {  	v41 =	vor.u32 $0x404, v0  }
0x1b7: {  	v35 =	vld.idx.msk [tilespmem:v63+s26+$0x0], $0xffff  }
0x1b8: {  	v42 =	vor.u32 $0x405, v0;
	v33 =	vadd.f32 $0.0e+00, v33  }
0x1b9: {  	v36 =	vld.idx.msk [tilespmem:v40+s26+$0x0], $0xffff  }
0x1ba: {  	v43 =	vor.u32 $0x406, v0;
	v33 =	vadd.f32 v34, v33  }
0x1bb: {  	v37 =	vld.idx.msk [tilespmem:v41+s26+$0x0], $0xffff  }
0x1bc: {  	v44 =	vor.u32 $0x407, v0;
	v33 =	vadd.f32 v35, v33  }
0x1bd: {  	v38 =	vld.idx.msk [tilespmem:v42+s26+$0x0], $0xffff  }
0x1be: {  	v45 =	vor.u32 $0x408, v0;
	v33 =	vadd.f32 v36, v33  }
0x1bf: {  	v34 =	vld.idx.msk [tilespmem:v43+s26+$0x0], $0xffff  }
0x1c0: {  	v46 =	vor.u32 $0x409, v0;
	v33 =	vadd.f32 v37, v33  }
0x1c1: {  	v35 =	vld.idx.msk [tilespmem:v44+s26+$0x0], $0xffff  }
0x1c2: {  	v47 =	vor.u32 $0x40A, v0;
	v33 =	vadd.f32 v38, v33  }
0x1c3: {  	v36 =	vld.idx.msk [tilespmem:v45+s26+$0x0], $0xffff  }
0x1c4: {  	v48 =	vor.u32 $0x40B, v0;
	v33 =	vadd.f32 v34, v33  }
0x1c5: {  	v37 =	vld.idx.msk [tilespmem:v46+s26+$0x0], $0xffff  }
0x1c6: {  	v49 =	vor.u32 $0x40C, v0;
	v33 =	vadd.f32 v35, v33  }
0x1c7: {  	v38 =	vld.idx.msk [tilespmem:v47+s26+$0x0], $0xffff  }
0x1c8: {  	v50 =	vor.u32 $0x40D, v0;
	v33 =	vadd.f32 v36, v33  }
0x1c9: {  	v34 =	vld.idx.msk [tilespmem:v48+s26+$0x0], $0xffff  }
0x1ca: {  	v51 =	vor.u32 $0x40E, v0;
	v33 =	vadd.f32 v37, v33  }
0x1cb: {  	v35 =	vld.idx.msk [tilespmem:v49+s26+$0x0], $0xffff  }
0x1cc: {  	v52 =	vor.u32 $0x40F, v0;
	v33 =	vadd.f32 v38, v33  }
0x1cd: {  	v36 =	vld.idx.msk [tilespmem:v50+s26+$0x0], $0xffff  }
0x1ce: {  	v33 =	vadd.f32 v34, v33  }
0x1cf: {  	v53 =	vld.idx.msk [tilespmem:v51+s26+$0x0], $0xffff  }
0x1d0: {  	v33 =	vadd.f32 v35, v33  }
0x1d1: {  	v54 =	vld.idx.msk [tilespmem:v52+s26+$0x0], $0xffff  }
0x1d2: {  	v33 =	vadd.f32 v36, v33;
	_ =	sdelay $0x1  }
0x1d3: {  	v33 =	vadd.f32 v53, v33;
	_ =	sdelay $0x1  }
0x1d4: {  	v33 =	vadd.f32 v54, v33;
	_ =	sdelay $0x1  }
0x1d5: {  	v33 =	vadd.f32 v33, v32;
	_ =	sdelay $0x1  }
0x1d6: {  	v33 =	vsub.f32 $0.0e+00, v33;
	_ =	sdelay $0x1  }
0x1d7: {  	v33 =	vmul.f32 $1.442695020e+00, v33;
	_ =	sdelay $0x1  }
0x1d8: {  	(erf) = vpow2.f32 v33;
	_ =	sdelay $0x8  }
0x1d9: {  	v33 =	vpop (erf)  }
0x1da: {  	v33 =	vadd.f32 $1.000000000e+00, v33;
	_ =	sdelay $0x1  }
0x1db: {  	(erf) = vrcp.f32 v33;
	_ =	sdelay $0x5  }
0x1dc: {  	v55 =	vor.u32 $0x500, v0;
	_ =	sdelay $0x1  }
0x1dd: {  	v56 =	vor.u32 $0x501, v0  }
0x1de: {  	v57 =	vpop (erf)  }
0x1df: {  	v58 =	vor.u32 $0x502, v0;
	[tilespmem:$0xD9B0] =	vst v57  }
0x1e0: {  	v33 =	vld.idx.msk [tilespmem:v55+s26+$0x0], $0xffff  }
0x1e1: {  	v59 =	vor.u32 $0x503, v0  }
0x1e2: {  	v34 =	vld.idx.msk [tilespmem:v56+s26+$0x0], $0xffff  }
0x1e3: {  	v60 =	vor.u32 $0x504, v0  }
0x1e4: {  	v35 =	vld.idx.msk [tilespmem:v58+s26+$0x0], $0xffff  }
0x1e5: {  	v61 =	vor.u32 $0x505, v0;
	v33 =	vadd.f32 $0.0e+00, v33  }
0x1e6: {  	v36 =	vld.idx.msk [tilespmem:v59+s26+$0x0], $0xffff  }
0x1e7: {  	v62 =	vor.u32 $0x506, v0;
	v33 =	vadd.f32 v34, v33  }
0x1e8: {  	v37 =	vld.idx.msk [tilespmem:v60+s26+$0x0], $0xffff  }
0x1e9: {  	v63 =	vor.u32 $0x507, v0;
	v33 =	vadd.f32 v35, v33  }
0x1ea: {  	v38 =	vld.idx.msk [tilespmem:v61+s26+$0x0], $0xffff  }
0x1eb: {  	v40 =	vor.u32 $0x508, v0;
	v33 =	vadd.f32 v36, v33  }
0x1ec: {  	v34 =	vld.idx.msk [tilespmem:v62+s26+$0x0], $0xffff  }
0x1ed: {  	v41 =	vor.u32 $0x509, v0;
	v33 =	vadd.f32 v37, v33  }
0x1ee: {  	v35 =	vld.idx.msk [tilespmem:v63+s26+$0x0], $0xffff  }
0x1ef: {  	v42 =	vor.u32 $0x50A, v0;
	v33 =	vadd.f32 v38, v33  }
0x1f0: {  	v36 =	vld.idx.msk [tilespmem:v40+s26+$0x0], $0xffff  }
0x1f1: {  	v43 =	vor.u32 $0x50B, v0;
	v33 =	vadd.f32 v34, v33  }
0x1f2: {  	v37 =	vld.idx.msk [tilespmem:v41+s26+$0x0], $0xffff  }
0x1f3: {  	v44 =	vor.u32 $0x50C, v0;
	v33 =	vadd.f32 v35, v33  }
0x1f4: {  	v38 =	vld.idx.msk [tilespmem:v42+s26+$0x0], $0xffff  }
0x1f5: {  	v45 =	vor.u32 $0x50D, v0;
	v33 =	vadd.f32 v36, v33  }
0x1f6: {  	v34 =	vld.idx.msk [tilespmem:v43+s26+$0x0], $0xffff  }
0x1f7: {  	v46 =	vor.u32 $0x50E, v0;
	v33 =	vadd.f32 v37, v33  }
0x1f8: {  	v35 =	vld.idx.msk [tilespmem:v44+s26+$0x0], $0xffff  }
0x1f9: {  	v47 =	vor.u32 $0x50F, v0;
	v33 =	vadd.f32 v38, v33  }
0x1fa: {  	v36 =	vld.idx.msk [tilespmem:v45+s26+$0x0], $0xffff  }
0x1fb: {  	v33 =	vadd.f32 v34, v33  }
0x1fc: {  	v48 =	vld.idx.msk [tilespmem:v46+s26+$0x0], $0xffff  }
0x1fd: {  	v33 =	vadd.f32 v35, v33  }
0x1fe: {  	v49 =	vld.idx.msk [tilespmem:v47+s26+$0x0], $0xffff  }
0x1ff: {  	v33 =	vadd.f32 v36, v33;
	_ =	sdelay $0x1  }
0x200: {  	v33 =	vadd.f32 v48, v33;
	_ =	sdelay $0x1  }
0x201: {  	v33 =	vadd.f32 v49, v33;
	_ =	sdelay $0x1  }
0x202: {  	v33 =	vadd.f32 v33, v32;
	_ =	sdelay $0x1  }
0x203: {  	v33 =	vsub.f32 $0.0e+00, v33;
	_ =	sdelay $0x1  }
0x204: {  	v33 =	vmul.f32 $1.442695020e+00, v33;
	_ =	sdelay $0x1  }
0x205: {  	(erf) = vpow2.f32 v33;
	_ =	sdelay $0x8  }
0x206: {  	v33 =	vpop (erf)  }
0x207: {  	v33 =	vadd.f32 $1.000000000e+00, v33;
	_ =	sdelay $0x1  }
0x208: {  	(erf) = vrcp.f32 v33;
	_ =	sdelay $0x5  }
0x209: {  	v50 =	vor.u32 $0x600, v0;
	_ =	sdelay $0x1  }
0x20a: {  	v51 =	vor.u32 $0x601, v0  }
0x20b: {  	v52 =	vpop (erf)  }
0x20c: {  	v53 =	vor.u32 $0x602, v0;
	[tilespmem:$0xD9C0] =	vst v52  }
0x20d: {  	v33 =	vld.idx.msk [tilespmem:v50+s26+$0x0], $0xffff  }
0x20e: {  	v54 =	vor.u32 $0x603, v0  }
0x20f: {  	v34 =	vld.idx.msk [tilespmem:v51+s26+$0x0], $0xffff  }
0x210: {  	v55 =	vor.u32 $0x604, v0  }
0x211: {  	v35 =	vld.idx.msk [tilespmem:v53+s26+$0x0], $0xffff  }
0x212: {  	v56 =	vor.u32 $0x605, v0;
	v33 =	vadd.f32 $0.0e+00, v33  }
0x213: {  	v36 =	vld.idx.msk [tilespmem:v54+s26+$0x0], $0xffff  }
0x214: {  	v57 =	vor.u32 $0x606, v0;
	v33 =	vadd.f32 v34, v33  }
0x215: {  	v37 =	vld.idx.msk [tilespmem:v55+s26+$0x0], $0xffff  }
0x216: {  	v58 =	vor.u32 $0x607, v0;
	v33 =	vadd.f32 v35, v33  }
0x217: {  	v38 =	vld.idx.msk [tilespmem:v56+s26+$0x0], $0xffff  }
0x218: {  	v59 =	vor.u32 $0x608, v0;
	v33 =	vadd.f32 v36, v33  }
0x219: {  	v34 =	vld.idx.msk [tilespmem:v57+s26+$0x0], $0xffff  }
0x21a: {  	v60 =	vor.u32 $0x609, v0;
	v33 =	vadd.f32 v37, v33  }
0x21b: {  	v35 =	vld.idx.msk [tilespmem:v58+s26+$0x0], $0xffff  }
0x21c: {  	v61 =	vor.u32 $0x60A, v0;
	v33 =	vadd.f32 v38, v33  }
0x21d: {  	v36 =	vld.idx.msk [tilespmem:v59+s26+$0x0], $0xffff  }
0x21e: {  	v62 =	vor.u32 $0x60B, v0;
	v33 =	vadd.f32 v34, v33  }
0x21f: {  	v37 =	vld.idx.msk [tilespmem:v60+s26+$0x0], $0xffff  }
0x220: {  	v63 =	vor.u32 $0x60C, v0;
	v33 =	vadd.f32 v35, v33  }
0x221: {  	v38 =	vld.idx.msk [tilespmem:v61+s26+$0x0], $0xffff  }
0x222: {  	v40 =	vor.u32 $0x60D, v0;
	v33 =	vadd.f32 v36, v33  }
0x223: {  	v34 =	vld.idx.msk [tilespmem:v62+s26+$0x0], $0xffff  }
0x224: {  	v41 =	vor.u32 $0x60E, v0;
	v33 =	vadd.f32 v37, v33  }
0x225: {  	v35 =	vld.idx.msk [tilespmem:v63+s26+$0x0], $0xffff  }
0x226: {  	v42 =	vor.u32 $0x60F, v0;
	v33 =	vadd.f32 v38, v33  }
0x227: {  	v36 =	vld.idx.msk [tilespmem:v40+s26+$0x0], $0xffff  }
0x228: {  	v33 =	vadd.f32 v34, v33  }
0x229: {  	v43 =	vld.idx.msk [tilespmem:v41+s26+$0x0], $0xffff  }
0x22a: {  	v33 =	vadd.f32 v35, v33  }
0x22b: {  	v44 =	vld.idx.msk [tilespmem:v42+s26+$0x0], $0xffff  }
0x22c: {  	v33 =	vadd.f32 v36, v33;
	_ =	sdelay $0x1  }
0x22d: {  	v33 =	vadd.f32 v43, v33;
	_ =	sdelay $0x1  }
0x22e: {  	v33 =	vadd.f32 v44, v33;
	_ =	sdelay $0x1  }
0x22f: {  	v33 =	vadd.f32 v33, v32;
	_ =	sdelay $0x1  }
0x230: {  	v33 =	vsub.f32 $0.0e+00, v33;
	_ =	sdelay $0x1  }
0x231: {  	v33 =	vmul.f32 $1.442695020e+00, v33;
	_ =	sdelay $0x1  }
0x232: {  	(erf) = vpow2.f32 v33;
	_ =	sdelay $0x8  }
0x233: {  	v33 =	vpop (erf)  }
0x234: {  	v33 =	vadd.f32 $1.000000000e+00, v33;
	_ =	sdelay $0x1  }
0x235: {  	(erf) = vrcp.f32 v33;
	_ =	sdelay $0x5  }
0x236: {  	v45 =	vor.u32 $0x700, v0;
	_ =	sdelay $0x1  }
0x237: {  	v46 =	vor.u32 $0x701, v0  }
0x238: {  	v47 =	vpop (erf)  }
0x239: {  	v48 =	vor.u32 $0x702, v0;
	[tilespmem:$0xD9D0] =	vst v47  }
0x23a: {  	v33 =	vld.idx.msk [tilespmem:v45+s26+$0x0], $0xffff  }
0x23b: {  	v49 =	vor.u32 $0x703, v0  }
0x23c: {  	v34 =	vld.idx.msk [tilespmem:v46+s26+$0x0], $0xffff  }
0x23d: {  	v50 =	vor.u32 $0x704, v0  }
0x23e: {  	v35 =	vld.idx.msk [tilespmem:v48+s26+$0x0], $0xffff  }
0x23f: {  	v51 =	vor.u32 $0x705, v0;
	v33 =	vadd.f32 $0.0e+00, v33  }
0x240: {  	v36 =	vld.idx.msk [tilespmem:v49+s26+$0x0], $0xffff  }
0x241: {  	v52 =	vor.u32 $0x706, v0;
	v33 =	vadd.f32 v34, v33  }
0x242: {  	v37 =	vld.idx.msk [tilespmem:v50+s26+$0x0], $0xffff  }
0x243: {  	v53 =	vor.u32 $0x707, v0;
	v33 =	vadd.f32 v35, v33  }
0x244: {  	v38 =	vld.idx.msk [tilespmem:v51+s26+$0x0], $0xffff  }
0x245: {  	v54 =	vor.u32 $0x708, v0;
	v33 =	vadd.f32 v36, v33  }
0x246: {  	v34 =	vld.idx.msk [tilespmem:v52+s26+$0x0], $0xffff  }
0x247: {  	v55 =	vor.u32 $0x709, v0;
	v33 =	vadd.f32 v37, v33  }
0x248: {  	v35 =	vld.idx.msk [tilespmem:v53+s26+$0x0], $0xffff  }
0x249: {  	v56 =	vor.u32 $0x70A, v0;
	v33 =	vadd.f32 v38, v33  }
0x24a: {  	v36 =	vld.idx.msk [tilespmem:v54+s26+$0x0], $0xffff  }
0x24b: {  	v57 =	vor.u32 $0x70B, v0;
	v33 =	vadd.f32 v34, v33  }
0x24c: {  	v37 =	vld.idx.msk [tilespmem:v55+s26+$0x0], $0xffff  }
0x24d: {  	v58 =	vor.u32 $0x70C, v0;
	v33 =	vadd.f32 v35, v33  }
0x24e: {  	v38 =	vld.idx.msk [tilespmem:v56+s26+$0x0], $0xffff  }
0x24f: {  	v59 =	vor.u32 $0x70D, v0;
	v33 =	vadd.f32 v36, v33  }
0x250: {  	v34 =	vld.idx.msk [tilespmem:v57+s26+$0x0], $0xffff  }
0x251: {  	v60 =	vor.u32 $0x70E, v0;
	v33 =	vadd.f32 v37, v33  }
0x252: {  	v35 =	vld.idx.msk [tilespmem:v58+s26+$0x0], $0xffff  }
0x253: {  	v61 =	vor.u32 $0x70F, v0;
	v33 =	vadd.f32 v38, v33  }
0x254: {  	v36 =	vld.idx.msk [tilespmem:v59+s26+$0x0], $0xffff  }
0x255: {  	v33 =	vadd.f32 v34, v33  }
0x256: {  	v62 =	vld.idx.msk [tilespmem:v60+s26+$0x0], $0xffff  }
0x257: {  	v33 =	vadd.f32 v35, v33  }
0x258: {  	v63 =	vld.idx.msk [tilespmem:v61+s26+$0x0], $0xffff  }
0x259: {  	v33 =	vadd.f32 v36, v33;
	_ =	sdelay $0x1  }
0x25a: {  	v33 =	vadd.f32 v62, v33;
	_ =	sdelay $0x1  }
0x25b: {  	v33 =	vadd.f32 v63, v33;
	_ =	sdelay $0x1  }
0x25c: {  	v32 =	vadd.f32 v33, v32;
	_ =	sdelay $0x1  }
0x25d: {  	v32 =	vsub.f32 $0.0e+00, v32;
	_ =	sdelay $0x1  }
0x25e: {  	v32 =	vmul.f32 $1.442695020e+00, v32;
	_ =	sdelay $0x1  }
0x25f: {  	(erf) = vpow2.f32 v32;
	_ =	sdelay $0x8  }
0x260: {  	v32 =	vpop (erf)  }
0x261: {  	v32 =	vadd.f32 $1.000000000e+00, v32;
	_ =	sdelay $0x1  }
0x262: {  	(erf) = vrcp.f32 v32;
	_ =	sdelay $0x7  }
0x263: {  	s29 =	sadd.s32 $0x1, s29  }
0x264: {  	p0 =	sne.s32 s29, s11;
	v32 =	vpop (erf)  }
.Ltmp3:
0x265: {  	[tilespmem:$0xD9E0] =	vst v32;
	(pc) =	sbr.rel @p0 .LBB2_1-.Ltmp3, $4  }
0x266: {  	[hbm4b:s10+s2] =	stream.linear.scatter [tilespmem:s28], [sflag:$0x5], $0x80, $0x38;
	[tilespmem:$0xD9F0] =	vst v63  }
0x267: {  	_ =	swait.ge [sflag:s12], $0x80  }
0x268: {  	[sflag:s12] =	ssyncset.done $0x0  }
0x269: {  	[sflag:s12] =	ssyncadd.s32 $0xFFFFFF80  }
0x26a: {  	_ =	sfence.sel $0x180000  }
0x26b: {  	[bflag:$0x0] =	sbarrier.arrive $0xFFFF  }
0x26c: {  	_ =	strace $0x90000047  }
0x26d: {  	s0 =	stileid.u32;
	[bflag:$0x2] =	sbarrier.arrive $0xFFFF  }
0x26e: {  	p0 =	sne.s32 s0, $0x0;
	s0 =	rddreg [dreg:$0x2]  }
0x26f: {  	s0 =	sadd.s32 @!p0 $0x100000, s0  }
0x270: {  	[sflag:s0] =	ssyncadd.tile.s32 @!p0 $0x1;
	_ =	shalt  }
.Lfunc_end2:
_tile_overlayer_lowered:
.L_overlay_start_2:
0x271: {  	(tag) =	ssettag $0x2  }
0x272: {  	s0 =	rddreg [dreg:$0x0];
	s2 =	stileid.u32  }
0x273: {  	s1 =	rddreg [dreg:$0x1];
	p0 =	sne.s32 s2, $0x0  }
0x274: {  	s3 =	rddreg [dreg:$0x2];
	[bflag:$0x3] =	sbarrier.arrive $0xFFFF;
	s2 =	simm.s32 @!p0 $0x1C05  }
0x275: {  	[timem:s3], [sflag:s2] =	dma.local @!p0 [hbm:s0], s1  }
0x276: {  	s0 =	simm.s32 @!p0 $0x5  }
0x277: {  	_ =	swait.ge @!p0 [sflag:s0], s1  }
0x278: {  	s1 =	ssub.s32 @!p0 $0x0, s1;
	[sflag:s0] =	ssyncset.done @!p0 $0x0  }
0x279: {  	[sflag:s0] =	ssyncadd.s32 @!p0 s1  }
0x27a: {  	[bflag:$0x3] =	sbarrier.arrive $0xFFFF  }
0x27b: {  	_ =	shalt  }

</sc_bundles>
